<compile_context>
chip_gen: v7x
topology: tpu7x:2x2x1
jax: 0.10.2.dev20260603
libtpu: 0.0.44.dev20260713+nightly
codegen_flags: <defaults>
</compile_context>

<pallas_src>
import functools

import jax
import jax.numpy as jnp
from jax import lax
from jax.experimental import pallas as pl
from jax.experimental.pallas import tpu as pltpu
from jax.experimental.pallas import tpu_sc as plsc

_B = 4096
_M = 26
_T = 4
_L = 128
_E = 32
_EPS = 1e-5

_NC = 2
_NS = 16
_NW = _NC * _NS
_BC = _B // _NW


def _sc_gather(table, idx3):
    mesh = plsc.VectorSubcoreMesh(core_axis_name="c", subcore_axis_name="s")

    @functools.partial(
        pl.kernel,
        out_type=jax.ShapeDtypeStruct((_B, _M * _E), jnp.bfloat16),
        mesh=mesh,
        scratch_types=[
            pltpu.VMEM((_M, _T * _BC), jnp.int32),
            pltpu.VMEM((_T * _BC, _E), jnp.bfloat16),
            pltpu.VMEM((_T * _BC, _E), jnp.bfloat16),
            pltpu.VMEM((_T * _BC, _E), jnp.bfloat16),
            pltpu.VMEM((_T * _BC, _E), jnp.bfloat16),
            pltpu.VMEM((_BC, _E), jnp.bfloat16),
            pltpu.VMEM((_BC, _E), jnp.bfloat16),
            pltpu.VMEM((_BC, _E), jnp.bfloat16),
            pltpu.VMEM((_BC, _E), jnp.bfloat16),
            pltpu.SemaphoreType.DMA,
            pltpu.SemaphoreType.DMA,
            pltpu.SemaphoreType.DMA,
            pltpu.SemaphoreType.DMA,
            pltpu.SemaphoreType.DMA,
            pltpu.SemaphoreType.DMA,
            pltpu.SemaphoreType.DMA,
            pltpu.SemaphoreType.DMA,
        ],
        compiler_params=pltpu.CompilerParams(use_tc_tiling_on_sc=False),
    )
    def k(table_hbm, idx_hbm, out_hbm, idx_v, gb0, gb1, gb2, gb3,
          eb0, eb1, eb2, eb3, gs0, gs1, gs2, gs3, ss0, ss1, ss2, ss3):
        wid = lax.axis_index("s") * _NC + lax.axis_index("c")
        base = wid * _BC
        pltpu.sync_copy(idx_hbm.at[:, wid], idx_v)

        gbufs = (gb0, gb1, gb2, gb3)
        ebufs = (eb0, eb1, eb2, eb3)
        gsems = (gs0, gs1, gs2, gs3)
        ssems = (ss0, ss1, ss2, ss3)

        def fire_gather(slot, m):
            pltpu.async_copy(table_hbm.at[idx_v.at[m]], gbufs[slot],
                             gsems[slot])

        def wait_gather(slot):
            pltpu.make_async_copy(table_hbm.at[idx_v.at[0]], gbufs[slot],
                                  gsems[slot]).wait()

        def fire_store(slot, m):
            pltpu.async_copy(
                ebufs[slot],
                out_hbm.at[pl.ds(base, _BC), pl.ds(m * _E, _E)],
                ssems[slot])

        def wait_store(slot):
            pltpu.make_async_copy(
                ebufs[slot],
                out_hbm.at[pl.ds(base, _BC), pl.ds(0, _E)],
                ssems[slot]).wait()

        def compute(slot):
            gb = gbufs[slot]
            eb = ebufs[slot]

            @plsc.parallel_loop(0, _BC, 1, unroll=4)
            def tree_sum(i, gb=gb, eb=eb):
                eb[i, :] = ((gb[i, :] + gb[_BC + i, :])
                            + (gb[2 * _BC + i, :] + gb[3 * _BC + i, :]))

        _NB = 4
        for i in range(_NB):
            fire_gather(i, i)

        _TAIL = _M % _NB + _NB
        _LOOPM = _M - _TAIL

        def step(j, carry):
            for slot in range(_NB):
                m = _NB * j + slot
                wait_gather(slot)

                @pl.when(j > 0)
                def _drain():
                    wait_store(slot)

                compute(slot)
                fire_gather(slot, m + _NB)
                fire_store(slot, m)
            return carry

        lax.fori_loop(0, _LOOPM // _NB, step, 0)
        for m in range(_LOOPM, _M):
            slot = m % _NB
            wait_gather(slot)
            wait_store(slot)
            compute(slot)
            if m + _NB < _M:
                fire_gather(slot, m + _NB)
            fire_store(slot, m)
        for slot in range(_NB):
            wait_store(slot)

    return k(table, idx3)


def _tc_head(emb, g2, be2, w2, bb):
    def body(z_ref, g_ref, be_ref, w_ref, bb_ref, o_ref, s_ref):
        z = z_ref[...].astype(jnp.float32)
        n = jnp.float32(_B)
        onesr = jnp.full((1, _B), 1.0, dtype=jnp.float32)
        s1 = jnp.dot(onesr, z, preferred_element_type=jnp.float32)
        s2 = jnp.dot(onesr, z * z, preferred_element_type=jnp.float32)
        mean = s1 / n
        var = s2 / n - mean * mean
        inv = lax.rsqrt(var + _EPS)
        gi = g_ref[...] * inv
        w = w_ref[...]
        coef = gi * w
        q = (be_ref[...] - mean * gi) * w
        rows = lax.broadcasted_iota(jnp.int32, (_M * _E, _M), 0)
        cols = lax.broadcasted_iota(jnp.int32, (_M * _E, _M), 1)
        sel = jnp.where(rows // _E == cols, jnp.float32(1.0),
                        jnp.float32(0.0))
        off = jnp.dot(q, sel, preferred_element_type=jnp.float32) + bb_ref[...]
        o = jnp.dot(z * coef, sel,
                    preferred_element_type=jnp.float32) + off
        o_ref[...] = o
        s_ref[...] = jnp.sum(o, axis=1, keepdims=True)

    return pl.pallas_call(
        body,
        out_shape=(jax.ShapeDtypeStruct((_B, _M), jnp.float32),
                   jax.ShapeDtypeStruct((_B, 1), jnp.float32)),
    )(emb, g2, be2, w2, bb)


def kernel(x, embed_w, bn_gamma, bn_beta, bout_w, bout_b):
    xi = x.astype(jnp.int32)
    col = jnp.arange(_M * _T, dtype=jnp.int32)
    offs = (col // _T) * (_T * _L) + (col % _T) * _L
    flat = xi + offs[None, :]
    idx3 = (flat.T.reshape(_M, _T, _NW, _BC).swapaxes(1, 2)
            .reshape(_M, _NW, _T * _BC))
    table = embed_w.reshape(_M * _T * _L, _E).astype(jnp.bfloat16)

    emb = _sc_gather(table, idx3)

    o, sum_out = _tc_head(
        emb,
        bn_gamma.reshape(1, _M * _E),
        bn_beta.reshape(1, _M * _E),
        bout_w.reshape(1, _M * _E),
        bout_b.reshape(1, _M),
    )
    return (sum_out, o)

# --- scband reference (transcript-rebuilt; emitter-appended) ---
"""Pipeline reference for scband-embedding-model-61168924230183 (READ-ONLY COPY).

The authoritative reference and input builder live on the scoring server;
editing this copy changes nothing except your own understanding.
"""

import jax, jax.numpy as jnp
import numpy as np
import math

B = 4096
M = 26          # n_models
T = 4           # max_ntree_per_split
L = 128         # maxleaf
E = 32          # embsize


def setup_inputs(seed: int = 0) -> dict:
    key = jax.random.key(seed)
    k1, k2, k3 = jax.random.split(key, 3)
    x = jax.random.randint(k1, (B, M * T), 0, L)  # leaf index per (model, tree)
    stdv_emb = math.sqrt(1.0 / T)
    embed_w = jax.random.normal(k2, (M, T * L, E), dtype=jnp.float32) * stdv_emb
    stdv_fc = math.sqrt(6.0 / (E + 1))
    bout_w = jax.random.uniform(k3, (M, E, 1), dtype=jnp.float32, minval=-stdv_fc, maxval=stdv_fc)
    bout_b = jnp.zeros((M, 1, 1), dtype=jnp.float32)
    bn_gamma = jnp.ones((M * E,), dtype=jnp.float32)
    bn_beta = jnp.zeros((M * E,), dtype=jnp.float32)
    return {"x": x, "embed_w": embed_w, "bn_gamma": bn_gamma, "bn_beta": bn_beta,
            "bout_w": bout_w, "bout_b": bout_b}


def reference(x, embed_w, bn_gamma, bn_beta, bout_w, bout_b):
    # batchmul: one_hot(x, maxleaf) @ embed_w  ==  gather rows of embed_w and sum over trees
    idx = x.reshape(B, M, T)
    flat_idx = idx + (jnp.arange(T, dtype=idx.dtype) * L)[None, None, :]  # [B, M, T] in [0, T*L)
    # per-model embedding gather: [M, B, T, E]
    gathered = jax.vmap(lambda w, i: jnp.take(w, i, axis=0), in_axes=(0, 1), out_axes=0)(embed_w, flat_idx)
    emb = gathered.sum(axis=2)                      # [M, B, E]
    out = jnp.transpose(emb, (1, 0, 2)).reshape(B, M * E)  # [B, M*E]
    # BatchNorm1d (training-mode batch statistics, biased var, eps=1e-5)
    mean = out.mean(axis=0)
    var = out.var(axis=0)
    out = (out - mean) / jnp.sqrt(var + 1e-5) * bn_gamma + bn_beta
    # dropout: identity (eval mode for determinism)
    h = out.reshape(B, M, E)
    h = jnp.transpose(h, (1, 0, 2))                 # [M, B, E]
    # BatchDense: baddbmm(bias, h, weight)
    o = jnp.einsum('mbe,meo->mbo', h, bout_w) + bout_b  # [M, B, 1]
    o = jnp.transpose(o, (1, 0, 2)).reshape(B, M)   # [B, M]
    sum_out = jnp.sum(o, axis=-1, keepdims=True)    # [B, 1]
    return (sum_out, o)

if __name__ == "__main__":
    import jax
    _d = setup_inputs()
    print(jax.jit(kernel)(*tuple(_d.values())))

</pallas_src>

<mosaic_0001>
#map = affine_map<(d0, d1) -> (0, 0)>
#map1 = affine_map<(d0, d1) -> (0, 0, 0)>
module attributes {stable_mosaic.version = 14 : i64} {
  func.func @k(%arg0: i32, %arg1: i32, %arg2: memref<13312x32xbf16, #tpu.memory_space<hbm>>, %arg3: memref<26x32x512xi32, #tpu.memory_space<hbm>>, %arg4: memref<4096x832xbf16, #tpu.memory_space<hbm>>, %arg5: memref<26x512xi32, #tpu.memory_space<vmem>>, %arg6: memref<512x32xbf16, #tpu.memory_space<vmem>>, %arg7: memref<512x32xbf16, #tpu.memory_space<vmem>>, %arg8: memref<512x32xbf16, #tpu.memory_space<vmem>>, %arg9: memref<512x32xbf16, #tpu.memory_space<vmem>>, %arg10: memref<128x32xbf16, #tpu.memory_space<vmem>>, %arg11: memref<128x32xbf16, #tpu.memory_space<vmem>>, %arg12: memref<128x32xbf16, #tpu.memory_space<vmem>>, %arg13: memref<128x32xbf16, #tpu.memory_space<vmem>>, %arg14: memref<!tpu.dma_semaphore, #tpu.memory_space<semaphore_mem>>, %arg15: memref<!tpu.dma_semaphore, #tpu.memory_space<semaphore_mem>>, %arg16: memref<!tpu.dma_semaphore, #tpu.memory_space<semaphore_mem>>, %arg17: memref<!tpu.dma_semaphore, #tpu.memory_space<semaphore_mem>>, %arg18: memref<!tpu.dma_semaphore, #tpu.memory_space<semaphore_mem>>, %arg19: memref<!tpu.dma_semaphore, #tpu.memory_space<semaphore_mem>>, %arg20: memref<!tpu.dma_semaphore, #tpu.memory_space<semaphore_mem>>, %arg21: memref<!tpu.dma_semaphore, #tpu.memory_space<semaphore_mem>>) attributes {dimension_semantics = [#tpu.dimension_semantics<core_parallel>, #tpu.dimension_semantics<subcore_parallel>], iteration_bounds = array<i64: 2, 16>, scalar_prefetch = 0 : i64, scratch_operands = 17 : i64, tpu.core_type = #tpu.core_type<sc_vector_subcore>, window_params = [{transform_indices = #map}, {transform_indices = #map1}, {transform_indices = #map}]} {
    %mul3A = arith.constant 2 : i32
    %mul3A_0 = arith.muli %arg1, %mul3A : i32
    %add3A = arith.addi %mul3A_0, %arg0 : i32
    %mul3A_1 = arith.constant 128 : i32
    %mul3A_2 = arith.muli %add3A, %mul3A_1 : i32
    "tpu.region"() ({
      %run_scoped3A = tpu.sem_alloc : memref<!tpu.dma_semaphore, #tpu.memory_space<semaphore_mem>>
      %dma_start3A_171 = arith.constant 0 : i32
      %dma_start3A_172 = arith.constant 0 : i32
      %dma_start3A_173 = tpu.memref_slice %arg3[%dma_start3A_171, %add3A, %dma_start3A_172] : memref<26x32x512xi32, #tpu.memory_space<hbm>> -> memref<26x1x512xi32, #tpu.memory_space<hbm>>
      %dma_start3A_174 = tpu.memref_squeeze %dma_start3A_173 : memref<26x1x512xi32, #tpu.memory_space<hbm>> -> memref<26x512xi32, #tpu.memory_space<hbm>>
      %dma_start3A_175 = arith.constant 0 : i32
      %dma_start3A_176 = arith.constant 0 : i32
      %dma_start3A_177 = tpu.memref_slice %arg3[%dma_start3A_175, %add3A, %dma_start3A_176] : memref<26x32x512xi32, #tpu.memory_space<hbm>> -> memref<26x1x512xi32, #tpu.memory_space<hbm>>
      %dma_start3A_178 = tpu.memref_squeeze %dma_start3A_177 : memref<26x1x512xi32, #tpu.memory_space<hbm>> -> memref<26x512xi32, #tpu.memory_space<hbm>>
      tpu.enqueue_dma source(%dma_start3A_178 : memref<26x512xi32, #tpu.memory_space<hbm>>) target(%arg5 : memref<26x512xi32, #tpu.memory_space<vmem>>) target_semaphore(%run_scoped3A : memref<!tpu.dma_semaphore, #tpu.memory_space<semaphore_mem>>)
      %dma_wait3A_179 = arith.constant 0 : i32
      %dma_wait3A_180 = arith.constant 0 : i32
      %dma_wait3A_181 = tpu.memref_slice %arg3[%dma_wait3A_179, %add3A, %dma_wait3A_180] : memref<26x32x512xi32, #tpu.memory_space<hbm>> -> memref<26x1x512xi32, #tpu.memory_space<hbm>>
      %dma_wait3A_182 = tpu.memref_squeeze %dma_wait3A_181 : memref<26x1x512xi32, #tpu.memory_space<hbm>> -> memref<26x512xi32, #tpu.memory_space<hbm>>
      %dma_wait3A_183 = arith.constant 0 : i32
      %dma_wait3A_184 = arith.constant 0 : i32
      %dma_wait3A_185 = tpu.memref_slice %arg3[%dma_wait3A_183, %add3A, %dma_wait3A_184] : memref<26x32x512xi32, #tpu.memory_space<hbm>> -> memref<26x1x512xi32, #tpu.memory_space<hbm>>
      %dma_wait3A_186 = tpu.memref_squeeze %dma_wait3A_185 : memref<26x1x512xi32, #tpu.memory_space<hbm>> -> memref<26x512xi32, #tpu.memory_space<hbm>>
      tpu.wait_dma2 semaphore(%run_scoped3A : memref<!tpu.dma_semaphore, #tpu.memory_space<semaphore_mem>>) src(%dma_wait3A_186 : memref<26x512xi32, #tpu.memory_space<hbm>>) dst(%arg5 : memref<26x512xi32, #tpu.memory_space<vmem>>)
      tpu.yield
    }) : () -> ()
    %dma_start3A = arith.constant 0 : i32
    %dma_start3A_3 = arith.constant 0 : i32
    %dma_start3A_4 = tpu.memref_slice %arg5[%dma_start3A, %dma_start3A_3] : memref<26x512xi32, #tpu.memory_space<vmem>> -> memref<1x512xi32, #tpu.memory_space<vmem>>
    %dma_start3A_5 = tpu.memref_squeeze %dma_start3A_4 : memref<1x512xi32, #tpu.memory_space<vmem>> -> memref<512xi32, #tpu.memory_space<vmem>>
    %dma_start3A_6 = arith.constant 0 : i32
    %dma_start3A_7 = arith.constant 0 : i32
    %dma_start3A_8 = tpu.memref_slice %arg2[%dma_start3A_6, %dma_start3A_7] : memref<13312x32xbf16, #tpu.memory_space<hbm>> -> memref<13312x32xbf16, #tpu.memory_space<hbm>>
    tpu.enqueue_indirect_dma source(%dma_start3A_8 : memref<13312x32xbf16, #tpu.memory_space<hbm>>) target(%arg6 : memref<512x32xbf16, #tpu.memory_space<vmem>>) offsets(%dma_start3A_5 : memref<512xi32, #tpu.memory_space<vmem>>) semaphore(%arg14 : memref<!tpu.dma_semaphore, #tpu.memory_space<semaphore_mem>>)
    %dma_start3A_9 = arith.constant 1 : i32
    %dma_start3A_10 = arith.constant 0 : i32
    %dma_start3A_11 = tpu.memref_slice %arg5[%dma_start3A_9, %dma_start3A_10] : memref<26x512xi32, #tpu.memory_space<vmem>> -> memref<1x512xi32, #tpu.memory_space<vmem>>
    %dma_start3A_12 = tpu.memref_squeeze %dma_start3A_11 : memref<1x512xi32, #tpu.memory_space<vmem>> -> memref<512xi32, #tpu.memory_space<vmem>>
    %dma_start3A_13 = arith.constant 0 : i32
    %dma_start3A_14 = arith.constant 0 : i32
    %dma_start3A_15 = tpu.memref_slice %arg2[%dma_start3A_13, %dma_start3A_14] : memref<13312x32xbf16, #tpu.memory_space<hbm>> -> memref<13312x32xbf16, #tpu.memory_space<hbm>>
    tpu.enqueue_indirect_dma source(%dma_start3A_15 : memref<13312x32xbf16, #tpu.memory_space<hbm>>) target(%arg7 : memref<512x32xbf16, #tpu.memory_space<vmem>>) offsets(%dma_start3A_12 : memref<512xi32, #tpu.memory_space<vmem>>) semaphore(%arg15 : memref<!tpu.dma_semaphore, #tpu.memory_space<semaphore_mem>>)
    %dma_start3A_16 = arith.constant 2 : i32
    %dma_start3A_17 = arith.constant 0 : i32
    %dma_start3A_18 = tpu.memref_slice %arg5[%dma_start3A_16, %dma_start3A_17] : memref<26x512xi32, #tpu.memory_space<vmem>> -> memref<1x512xi32, #tpu.memory_space<vmem>>
    %dma_start3A_19 = tpu.memref_squeeze %dma_start3A_18 : memref<1x512xi32, #tpu.memory_space<vmem>> -> memref<512xi32, #tpu.memory_space<vmem>>
    %dma_start3A_20 = arith.constant 0 : i32
    %dma_start3A_21 = arith.constant 0 : i32
    %dma_start3A_22 = tpu.memref_slice %arg2[%dma_start3A_20, %dma_start3A_21] : memref<13312x32xbf16, #tpu.memory_space<hbm>> -> memref<13312x32xbf16, #tpu.memory_space<hbm>>
    tpu.enqueue_indirect_dma source(%dma_start3A_22 : memref<13312x32xbf16, #tpu.memory_space<hbm>>) target(%arg8 : memref<512x32xbf16, #tpu.memory_space<vmem>>) offsets(%dma_start3A_19 : memref<512xi32, #tpu.memory_space<vmem>>) semaphore(%arg16 : memref<!tpu.dma_semaphore, #tpu.memory_space<semaphore_mem>>)
    %dma_start3A_23 = arith.constant 3 : i32
    %dma_start3A_24 = arith.constant 0 : i32
    %dma_start3A_25 = tpu.memref_slice %arg5[%dma_start3A_23, %dma_start3A_24] : memref<26x512xi32, #tpu.memory_space<vmem>> -> memref<1x512xi32, #tpu.memory_space<vmem>>
    %dma_start3A_26 = tpu.memref_squeeze %dma_start3A_25 : memref<1x512xi32, #tpu.memory_space<vmem>> -> memref<512xi32, #tpu.memory_space<vmem>>
    %dma_start3A_27 = arith.constant 0 : i32
    %dma_start3A_28 = arith.constant 0 : i32
    %dma_start3A_29 = tpu.memref_slice %arg2[%dma_start3A_27, %dma_start3A_28] : memref<13312x32xbf16, #tpu.memory_space<hbm>> -> memref<13312x32xbf16, #tpu.memory_space<hbm>>
    tpu.enqueue_indirect_dma source(%dma_start3A_29 : memref<13312x32xbf16, #tpu.memory_space<hbm>>) target(%arg9 : memref<512x32xbf16, #tpu.memory_space<vmem>>) offsets(%dma_start3A_26 : memref<512xi32, #tpu.memory_space<vmem>>) semaphore(%arg17 : memref<!tpu.dma_semaphore, #tpu.memory_space<semaphore_mem>>)
    %scan3A = arith.constant 0 : i32
    %scan3A_30 = arith.constant 0 : i32
    %scan3A_31 = arith.constant 5 : i32
    %scan3A_32 = arith.addi %scan3A_30, %scan3A_31 : i32
    %scan3A_33 = arith.constant 1 : i32
    scf.for %scan3A_171 = %scan3A_30 to %scan3A_32 step %scan3A_33  : i32 {
      %mul3A_172 = arith.constant 4 : i32
      %mul3A_173 = arith.muli %mul3A_172, %scan3A_171 : i32
      %add3A_174 = arith.constant 0 : i32
      %add3A_175 = arith.addi %mul3A_173, %add3A_174 : i32
      %dma_wait3A_176 = arith.constant 0 : i32
      %dma_wait3A_177 = arith.constant 0 : i32
      %dma_wait3A_178 = tpu.memref_slice %arg5[%dma_wait3A_176, %dma_wait3A_177] : memref<26x512xi32, #tpu.memory_space<vmem>> -> memref<1x512xi32, #tpu.memory_space<vmem>>
      %dma_wait3A_179 = tpu.memref_squeeze %dma_wait3A_178 : memref<1x512xi32, #tpu.memory_space<vmem>> -> memref<512xi32, #tpu.memory_space<vmem>>
      %dma_wait3A_180 = arith.constant 0 : i32
      %dma_wait3A_181 = arith.constant 0 : i32
      %dma_wait3A_182 = tpu.memref_slice %arg2[%dma_wait3A_180, %dma_wait3A_181] : memref<13312x32xbf16, #tpu.memory_space<hbm>> -> memref<13312x32xbf16, #tpu.memory_space<hbm>>
      tpu.wait_indirect_dma semaphore(%arg14 : memref<!tpu.dma_semaphore, #tpu.memory_space<semaphore_mem>>) src(%dma_wait3A_182 : memref<13312x32xbf16, #tpu.memory_space<hbm>>) dst(%arg6 : memref<512x32xbf16, #tpu.memory_space<vmem>>)
      %gt3A = arith.constant 0 : i32
      %gt3A_183 = arith.cmpi sgt, %scan3A_171, %gt3A : i32
      %convert_element_type3A = arith.extui %gt3A_183 : i1 to i32
      %cond3A = arith.constant 0 : i32
      %cond3A_184 = arith.cmpi ne, %convert_element_type3A, %cond3A : i32
      scf.if %cond3A_184 {
        %dma_wait3A_293 = arith.constant 0 : i32
        %dma_wait3A_294 = tpu.memref_slice %arg4[%mul3A_2, %dma_wait3A_293] : memref<4096x832xbf16, #tpu.memory_space<hbm>> -> memref<128x32xbf16, #tpu.memory_space<hbm>>
        %dma_wait3A_295 = arith.constant 0 : i32
        %dma_wait3A_296 = tpu.memref_slice %arg4[%mul3A_2, %dma_wait3A_295] : memref<4096x832xbf16, #tpu.memory_space<hbm>> -> memref<128x32xbf16, #tpu.memory_space<hbm>>
        tpu.wait_dma2 semaphore(%arg18 : memref<!tpu.dma_semaphore, #tpu.memory_space<semaphore_mem>>) src(%arg10 : memref<128x32xbf16, #tpu.memory_space<vmem>>) dst(%dma_wait3A_296 : memref<128x32xbf16, #tpu.memory_space<hbm>>)
      } else {
      }
      %parallel_loop3A_185 = arith.constant 0 : i32
      %parallel_loop3A_186 = arith.constant 128 : i32
      %parallel_loop3A_187 = arith.constant 1 : i32
      scf.for %parallel_loop3A_293 = %parallel_loop3A_185 to %parallel_loop3A_186 step %parallel_loop3A_187  : i32 {
        %parallel_loop3A_294 = arith.index_cast %parallel_loop3A_293 : i32 to index
        %parallel_loop3A_295 = arith.constant 0 : index
        %parallel_loop3A_296 = tpu.vector_load %arg6[%parallel_loop3A_294, %parallel_loop3A_295] {strides = array<i32>} : memref<512x32xbf16, #tpu.memory_space<vmem>>, vector<1x32xbf16>,
        %parallel_loop3A_297 = vector.shape_cast %parallel_loop3A_296 : vector<1x32xbf16> to vector<32xbf16>
        %parallel_loop3A_298 = arith.constant 128 : i32
        %parallel_loop3A_299 = arith.addi %parallel_loop3A_298, %parallel_loop3A_293 : i32
        %parallel_loop3A_300 = arith.index_cast %parallel_loop3A_299 : i32 to index
        %parallel_loop3A_301 = arith.constant 0 : index
        %parallel_loop3A_302 = tpu.vector_load %arg6[%parallel_loop3A_300, %parallel_loop3A_301] {strides = array<i32>} : memref<512x32xbf16, #tpu.memory_space<vmem>>, vector<1x32xbf16>,
        %parallel_loop3A_303 = vector.shape_cast %parallel_loop3A_302 : vector<1x32xbf16> to vector<32xbf16>
        %parallel_loop3A_304 = arith.addf %parallel_loop3A_297, %parallel_loop3A_303 : vector<32xbf16>
        %parallel_loop3A_305 = arith.constant 256 : i32
        %parallel_loop3A_306 = arith.addi %parallel_loop3A_305, %parallel_loop3A_293 : i32
        %parallel_loop3A_307 = arith.index_cast %parallel_loop3A_306 : i32 to index
        %parallel_loop3A_308 = arith.constant 0 : index
        %parallel_loop3A_309 = tpu.vector_load %arg6[%parallel_loop3A_307, %parallel_loop3A_308] {strides = array<i32>} : memref<512x32xbf16, #tpu.memory_space<vmem>>, vector<1x32xbf16>,
        %parallel_loop3A_310 = vector.shape_cast %parallel_loop3A_309 : vector<1x32xbf16> to vector<32xbf16>
        %parallel_loop3A_311 = arith.constant 384 : i32
        %parallel_loop3A_312 = arith.addi %parallel_loop3A_311, %parallel_loop3A_293 : i32
        %parallel_loop3A_313 = arith.index_cast %parallel_loop3A_312 : i32 to index
        %parallel_loop3A_314 = arith.constant 0 : index
        %parallel_loop3A_315 = tpu.vector_load %arg6[%parallel_loop3A_313, %parallel_loop3A_314] {strides = array<i32>} : memref<512x32xbf16, #tpu.memory_space<vmem>>, vector<1x32xbf16>,
        %parallel_loop3A_316 = vector.shape_cast %parallel_loop3A_315 : vector<1x32xbf16> to vector<32xbf16>
        %parallel_loop3A_317 = arith.addf %parallel_loop3A_310, %parallel_loop3A_316 : vector<32xbf16>
        %parallel_loop3A_318 = arith.addf %parallel_loop3A_304, %parallel_loop3A_317 : vector<32xbf16>
        %parallel_loop3A_319 = arith.index_cast %parallel_loop3A_293 : i32 to index
        %parallel_loop3A_320 = arith.constant 0 : index
        %parallel_loop3A_321 = tpu.vector_load %arg10[%parallel_loop3A_319, %parallel_loop3A_320] {strides = array<i32>} : memref<128x32xbf16, #tpu.memory_space<vmem>>, vector<1x32xbf16>,
        %parallel_loop3A_322 = vector.shape_cast %parallel_loop3A_321 : vector<1x32xbf16> to vector<32xbf16>
        %parallel_loop3A_323 = vector.shape_cast %parallel_loop3A_318 : vector<32xbf16> to vector<1x32xbf16>
        tpu.vector_store %arg10[%parallel_loop3A_319, %parallel_loop3A_320], %parallel_loop3A_323 {strides = array<i32>} : memref<128x32xbf16, #tpu.memory_space<vmem>>, vector<1x32xbf16>,
      } {sc.loop_unroll_factor = 4 : i64, sc.parallel_access}
      %add3A_188 = arith.constant 4 : i32
      %add3A_189 = arith.addi %add3A_175, %add3A_188 : i32
      %dma_start3A_190 = arith.constant 0 : i32
      %dma_start3A_191 = tpu.memref_slice %arg5[%add3A_189, %dma_start3A_190] : memref<26x512xi32, #tpu.memory_space<vmem>> -> memref<1x512xi32, #tpu.memory_space<vmem>>
      %dma_start3A_192 = tpu.memref_squeeze %dma_start3A_191 : memref<1x512xi32, #tpu.memory_space<vmem>> -> memref<512xi32, #tpu.memory_space<vmem>>
      %dma_start3A_193 = arith.constant 0 : i32
      %dma_start3A_194 = arith.constant 0 : i32
      %dma_start3A_195 = tpu.memref_slice %arg2[%dma_start3A_193, %dma_start3A_194] : memref<13312x32xbf16, #tpu.memory_space<hbm>> -> memref<13312x32xbf16, #tpu.memory_space<hbm>>
      tpu.enqueue_indirect_dma source(%dma_start3A_195 : memref<13312x32xbf16, #tpu.memory_space<hbm>>) target(%arg6 : memref<512x32xbf16, #tpu.memory_space<vmem>>) offsets(%dma_start3A_192 : memref<512xi32, #tpu.memory_space<vmem>>) semaphore(%arg14 : memref<!tpu.dma_semaphore, #tpu.memory_space<semaphore_mem>>)
      %mul3A_196 = arith.constant 32 : i32
      %mul3A_197 = arith.muli %add3A_175, %mul3A_196 : i32
      %dma_start3A_198 = tpu.memref_slice %arg4[%mul3A_2, %mul3A_197] : memref<4096x832xbf16, #tpu.memory_space<hbm>> -> memref<128x32xbf16, #tpu.memory_space<hbm>>
      %dma_start3A_199 = tpu.memref_slice %arg4[%mul3A_2, %mul3A_197] : memref<4096x832xbf16, #tpu.memory_space<hbm>> -> memref<128x32xbf16, #tpu.memory_space<hbm>>
      tpu.enqueue_dma source(%arg10 : memref<128x32xbf16, #tpu.memory_space<vmem>>) target(%dma_start3A_199 : memref<128x32xbf16, #tpu.memory_space<hbm>>) target_semaphore(%arg18 : memref<!tpu.dma_semaphore, #tpu.memory_space<semaphore_mem>>)
      %mul3A_200 = arith.constant 4 : i32
      %mul3A_201 = arith.muli %mul3A_200, %scan3A_171 : i32
      %add3A_202 = arith.constant 1 : i32
      %add3A_203 = arith.addi %mul3A_201, %add3A_202 : i32
      %dma_wait3A_204 = arith.constant 0 : i32
      %dma_wait3A_205 = arith.constant 0 : i32
      %dma_wait3A_206 = tpu.memref_slice %arg5[%dma_wait3A_204, %dma_wait3A_205] : memref<26x512xi32, #tpu.memory_space<vmem>> -> memref<1x512xi32, #tpu.memory_space<vmem>>
      %dma_wait3A_207 = tpu.memref_squeeze %dma_wait3A_206 : memref<1x512xi32, #tpu.memory_space<vmem>> -> memref<512xi32, #tpu.memory_space<vmem>>
      %dma_wait3A_208 = arith.constant 0 : i32
      %dma_wait3A_209 = arith.constant 0 : i32
      %dma_wait3A_210 = tpu.memref_slice %arg2[%dma_wait3A_208, %dma_wait3A_209] : memref<13312x32xbf16, #tpu.memory_space<hbm>> -> memref<13312x32xbf16, #tpu.memory_space<hbm>>
      tpu.wait_indirect_dma semaphore(%arg15 : memref<!tpu.dma_semaphore, #tpu.memory_space<semaphore_mem>>) src(%dma_wait3A_210 : memref<13312x32xbf16, #tpu.memory_space<hbm>>) dst(%arg7 : memref<512x32xbf16, #tpu.memory_space<vmem>>)
      %gt3A_211 = arith.constant 0 : i32
      %gt3A_212 = arith.cmpi sgt, %scan3A_171, %gt3A_211 : i32
      %convert_element_type3A_213 = arith.extui %gt3A_212 : i1 to i32
      %cond3A_214 = arith.constant 0 : i32
      %cond3A_215 = arith.cmpi ne, %convert_element_type3A_213, %cond3A_214 : i32
      scf.if %cond3A_215 {
        %dma_wait3A_293 = arith.constant 0 : i32
        %dma_wait3A_294 = tpu.memref_slice %arg4[%mul3A_2, %dma_wait3A_293] : memref<4096x832xbf16, #tpu.memory_space<hbm>> -> memref<128x32xbf16, #tpu.memory_space<hbm>>
        %dma_wait3A_295 = arith.constant 0 : i32
        %dma_wait3A_296 = tpu.memref_slice %arg4[%mul3A_2, %dma_wait3A_295] : memref<4096x832xbf16, #tpu.memory_space<hbm>> -> memref<128x32xbf16, #tpu.memory_space<hbm>>
        tpu.wait_dma2 semaphore(%arg19 : memref<!tpu.dma_semaphore, #tpu.memory_space<semaphore_mem>>) src(%arg11 : memref<128x32xbf16, #tpu.memory_space<vmem>>) dst(%dma_wait3A_296 : memref<128x32xbf16, #tpu.memory_space<hbm>>)
      } else {
      }
      %parallel_loop3A_216 = arith.constant 0 : i32
      %parallel_loop3A_217 = arith.constant 128 : i32
      %parallel_loop3A_218 = arith.constant 1 : i32
      scf.for %parallel_loop3A_293 = %parallel_loop3A_216 to %parallel_loop3A_217 step %parallel_loop3A_218  : i32 {
        %parallel_loop3A_294 = arith.index_cast %parallel_loop3A_293 : i32 to index
        %parallel_loop3A_295 = arith.constant 0 : index
        %parallel_loop3A_296 = tpu.vector_load %arg7[%parallel_loop3A_294, %parallel_loop3A_295] {strides = array<i32>} : memref<512x32xbf16, #tpu.memory_space<vmem>>, vector<1x32xbf16>,
        %parallel_loop3A_297 = vector.shape_cast %parallel_loop3A_296 : vector<1x32xbf16> to vector<32xbf16>
        %parallel_loop3A_298 = arith.constant 128 : i32
        %parallel_loop3A_299 = arith.addi %parallel_loop3A_298, %parallel_loop3A_293 : i32
        %parallel_loop3A_300 = arith.index_cast %parallel_loop3A_299 : i32 to index
        %parallel_loop3A_301 = arith.constant 0 : index
        %parallel_loop3A_302 = tpu.vector_load %arg7[%parallel_loop3A_300, %parallel_loop3A_301] {strides = array<i32>} : memref<512x32xbf16, #tpu.memory_space<vmem>>, vector<1x32xbf16>,
        %parallel_loop3A_303 = vector.shape_cast %parallel_loop3A_302 : vector<1x32xbf16> to vector<32xbf16>
        %parallel_loop3A_304 = arith.addf %parallel_loop3A_297, %parallel_loop3A_303 : vector<32xbf16>
        %parallel_loop3A_305 = arith.constant 256 : i32
        %parallel_loop3A_306 = arith.addi %parallel_loop3A_305, %parallel_loop3A_293 : i32
        %parallel_loop3A_307 = arith.index_cast %parallel_loop3A_306 : i32 to index
        %parallel_loop3A_308 = arith.constant 0 : index
        %parallel_loop3A_309 = tpu.vector_load %arg7[%parallel_loop3A_307, %parallel_loop3A_308] {strides = array<i32>} : memref<512x32xbf16, #tpu.memory_space<vmem>>, vector<1x32xbf16>,
        %parallel_loop3A_310 = vector.shape_cast %parallel_loop3A_309 : vector<1x32xbf16> to vector<32xbf16>
        %parallel_loop3A_311 = arith.constant 384 : i32
        %parallel_loop3A_312 = arith.addi %parallel_loop3A_311, %parallel_loop3A_293 : i32
        %parallel_loop3A_313 = arith.index_cast %parallel_loop3A_312 : i32 to index
        %parallel_loop3A_314 = arith.constant 0 : index
        %parallel_loop3A_315 = tpu.vector_load %arg7[%parallel_loop3A_313, %parallel_loop3A_314] {strides = array<i32>} : memref<512x32xbf16, #tpu.memory_space<vmem>>, vector<1x32xbf16>,
        %parallel_loop3A_316 = vector.shape_cast %parallel_loop3A_315 : vector<1x32xbf16> to vector<32xbf16>
        %parallel_loop3A_317 = arith.addf %parallel_loop3A_310, %parallel_loop3A_316 : vector<32xbf16>
        %parallel_loop3A_318 = arith.addf %parallel_loop3A_304, %parallel_loop3A_317 : vector<32xbf16>
        %parallel_loop3A_319 = arith.index_cast %parallel_loop3A_293 : i32 to index
        %parallel_loop3A_320 = arith.constant 0 : index
        %parallel_loop3A_321 = tpu.vector_load %arg11[%parallel_loop3A_319, %parallel_loop3A_320] {strides = array<i32>} : memref<128x32xbf16, #tpu.memory_space<vmem>>, vector<1x32xbf16>,
        %parallel_loop3A_322 = vector.shape_cast %parallel_loop3A_321 : vector<1x32xbf16> to vector<32xbf16>
        %parallel_loop3A_323 = vector.shape_cast %parallel_loop3A_318 : vector<32xbf16> to vector<1x32xbf16>
        tpu.vector_store %arg11[%parallel_loop3A_319, %parallel_loop3A_320], %parallel_loop3A_323 {strides = array<i32>} : memref<128x32xbf16, #tpu.memory_space<vmem>>, vector<1x32xbf16>,
      } {sc.loop_unroll_factor = 4 : i64, sc.parallel_access}
      %add3A_219 = arith.constant 4 : i32
      %add3A_220 = arith.addi %add3A_203, %add3A_219 : i32
      %dma_start3A_221 = arith.constant 0 : i32
      %dma_start3A_222 = tpu.memref_slice %arg5[%add3A_220, %dma_start3A_221] : memref<26x512xi32, #tpu.memory_space<vmem>> -> memref<1x512xi32, #tpu.memory_space<vmem>>
      %dma_start3A_223 = tpu.memref_squeeze %dma_start3A_222 : memref<1x512xi32, #tpu.memory_space<vmem>> -> memref<512xi32, #tpu.memory_space<vmem>>
      %dma_start3A_224 = arith.constant 0 : i32
      %dma_start3A_225 = arith.constant 0 : i32
      %dma_start3A_226 = tpu.memref_slice %arg2[%dma_start3A_224, %dma_start3A_225] : memref<13312x32xbf16, #tpu.memory_space<hbm>> -> memref<13312x32xbf16, #tpu.memory_space<hbm>>
      tpu.enqueue_indirect_dma source(%dma_start3A_226 : memref<13312x32xbf16, #tpu.memory_space<hbm>>) target(%arg7 : memref<512x32xbf16, #tpu.memory_space<vmem>>) offsets(%dma_start3A_223 : memref<512xi32, #tpu.memory_space<vmem>>) semaphore(%arg15 : memref<!tpu.dma_semaphore, #tpu.memory_space<semaphore_mem>>)
      %mul3A_227 = arith.constant 32 : i32
      %mul3A_228 = arith.muli %add3A_203, %mul3A_227 : i32
      %dma_start3A_229 = tpu.memref_slice %arg4[%mul3A_2, %mul3A_228] : memref<4096x832xbf16, #tpu.memory_space<hbm>> -> memref<128x32xbf16, #tpu.memory_space<hbm>>
      %dma_start3A_230 = tpu.memref_slice %arg4[%mul3A_2, %mul3A_228] : memref<4096x832xbf16, #tpu.memory_space<hbm>> -> memref<128x32xbf16, #tpu.memory_space<hbm>>
      tpu.enqueue_dma source(%arg11 : memref<128x32xbf16, #tpu.memory_space<vmem>>) target(%dma_start3A_230 : memref<128x32xbf16, #tpu.memory_space<hbm>>) target_semaphore(%arg19 : memref<!tpu.dma_semaphore, #tpu.memory_space<semaphore_mem>>)
      %mul3A_231 = arith.constant 4 : i32
      %mul3A_232 = arith.muli %mul3A_231, %scan3A_171 : i32
      %add3A_233 = arith.constant 2 : i32
      %add3A_234 = arith.addi %mul3A_232, %add3A_233 : i32
      %dma_wait3A_235 = arith.constant 0 : i32
      %dma_wait3A_236 = arith.constant 0 : i32
      %dma_wait3A_237 = tpu.memref_slice %arg5[%dma_wait3A_235, %dma_wait3A_236] : memref<26x512xi32, #tpu.memory_space<vmem>> -> memref<1x512xi32, #tpu.memory_space<vmem>>
      %dma_wait3A_238 = tpu.memref_squeeze %dma_wait3A_237 : memref<1x512xi32, #tpu.memory_space<vmem>> -> memref<512xi32, #tpu.memory_space<vmem>>
      %dma_wait3A_239 = arith.constant 0 : i32
      %dma_wait3A_240 = arith.constant 0 : i32
      %dma_wait3A_241 = tpu.memref_slice %arg2[%dma_wait3A_239, %dma_wait3A_240] : memref<13312x32xbf16, #tpu.memory_space<hbm>> -> memref<13312x32xbf16, #tpu.memory_space<hbm>>
      tpu.wait_indirect_dma semaphore(%arg16 : memref<!tpu.dma_semaphore, #tpu.memory_space<semaphore_mem>>) src(%dma_wait3A_241 : memref<13312x32xbf16, #tpu.memory_space<hbm>>) dst(%arg8 : memref<512x32xbf16, #tpu.memory_space<vmem>>)
      %gt3A_242 = arith.constant 0 : i32
      %gt3A_243 = arith.cmpi sgt, %scan3A_171, %gt3A_242 : i32
      %convert_element_type3A_244 = arith.extui %gt3A_243 : i1 to i32
      %cond3A_245 = arith.constant 0 : i32
      %cond3A_246 = arith.cmpi ne, %convert_element_type3A_244, %cond3A_245 : i32
      scf.if %cond3A_246 {
        %dma_wait3A_293 = arith.constant 0 : i32
        %dma_wait3A_294 = tpu.memref_slice %arg4[%mul3A_2, %dma_wait3A_293] : memref<4096x832xbf16, #tpu.memory_space<hbm>> -> memref<128x32xbf16, #tpu.memory_space<hbm>>
        %dma_wait3A_295 = arith.constant 0 : i32
        %dma_wait3A_296 = tpu.memref_slice %arg4[%mul3A_2, %dma_wait3A_295] : memref<4096x832xbf16, #tpu.memory_space<hbm>> -> memref<128x32xbf16, #tpu.memory_space<hbm>>
        tpu.wait_dma2 semaphore(%arg20 : memref<!tpu.dma_semaphore, #tpu.memory_space<semaphore_mem>>) src(%arg12 : memref<128x32xbf16, #tpu.memory_space<vmem>>) dst(%dma_wait3A_296 : memref<128x32xbf16, #tpu.memory_space<hbm>>)
      } else {
      }
      %parallel_loop3A_247 = arith.constant 0 : i32
      %parallel_loop3A_248 = arith.constant 128 : i32
      %parallel_loop3A_249 = arith.constant 1 : i32
      scf.for %parallel_loop3A_293 = %parallel_loop3A_247 to %parallel_loop3A_248 step %parallel_loop3A_249  : i32 {
        %parallel_loop3A_294 = arith.index_cast %parallel_loop3A_293 : i32 to index
        %parallel_loop3A_295 = arith.constant 0 : index
        %parallel_loop3A_296 = tpu.vector_load %arg8[%parallel_loop3A_294, %parallel_loop3A_295] {strides = array<i32>} : memref<512x32xbf16, #tpu.memory_space<vmem>>, vector<1x32xbf16>,
        %parallel_loop3A_297 = vector.shape_cast %parallel_loop3A_296 : vector<1x32xbf16> to vector<32xbf16>
        %parallel_loop3A_298 = arith.constant 128 : i32
        %parallel_loop3A_299 = arith.addi %parallel_loop3A_298, %parallel_loop3A_293 : i32
        %parallel_loop3A_300 = arith.index_cast %parallel_loop3A_299 : i32 to index
        %parallel_loop3A_301 = arith.constant 0 : index
        %parallel_loop3A_302 = tpu.vector_load %arg8[%parallel_loop3A_300, %parallel_loop3A_301] {strides = array<i32>} : memref<512x32xbf16, #tpu.memory_space<vmem>>, vector<1x32xbf16>,
        %parallel_loop3A_303 = vector.shape_cast %parallel_loop3A_302 : vector<1x32xbf16> to vector<32xbf16>
        %parallel_loop3A_304 = arith.addf %parallel_loop3A_297, %parallel_loop3A_303 : vector<32xbf16>
        %parallel_loop3A_305 = arith.constant 256 : i32
        %parallel_loop3A_306 = arith.addi %parallel_loop3A_305, %parallel_loop3A_293 : i32
        %parallel_loop3A_307 = arith.index_cast %parallel_loop3A_306 : i32 to index
        %parallel_loop3A_308 = arith.constant 0 : index
        %parallel_loop3A_309 = tpu.vector_load %arg8[%parallel_loop3A_307, %parallel_loop3A_308] {strides = array<i32>} : memref<512x32xbf16, #tpu.memory_space<vmem>>, vector<1x32xbf16>,
        %parallel_loop3A_310 = vector.shape_cast %parallel_loop3A_309 : vector<1x32xbf16> to vector<32xbf16>
        %parallel_loop3A_311 = arith.constant 384 : i32
        %parallel_loop3A_312 = arith.addi %parallel_loop3A_311, %parallel_loop3A_293 : i32
        %parallel_loop3A_313 = arith.index_cast %parallel_loop3A_312 : i32 to index
        %parallel_loop3A_314 = arith.constant 0 : index
        %parallel_loop3A_315 = tpu.vector_load %arg8[%parallel_loop3A_313, %parallel_loop3A_314] {strides = array<i32>} : memref<512x32xbf16, #tpu.memory_space<vmem>>, vector<1x32xbf16>,
        %parallel_loop3A_316 = vector.shape_cast %parallel_loop3A_315 : vector<1x32xbf16> to vector<32xbf16>
        %parallel_loop3A_317 = arith.addf %parallel_loop3A_310, %parallel_loop3A_316 : vector<32xbf16>
        %parallel_loop3A_318 = arith.addf %parallel_loop3A_304, %parallel_loop3A_317 : vector<32xbf16>
        %parallel_loop3A_319 = arith.index_cast %parallel_loop3A_293 : i32 to index
        %parallel_loop3A_320 = arith.constant 0 : index
        %parallel_loop3A_321 = tpu.vector_load %arg12[%parallel_loop3A_319, %parallel_loop3A_320] {strides = array<i32>} : memref<128x32xbf16, #tpu.memory_space<vmem>>, vector<1x32xbf16>,
        %parallel_loop3A_322 = vector.shape_cast %parallel_loop3A_321 : vector<1x32xbf16> to vector<32xbf16>
        %parallel_loop3A_323 = vector.shape_cast %parallel_loop3A_318 : vector<32xbf16> to vector<1x32xbf16>
        tpu.vector_store %arg12[%parallel_loop3A_319, %parallel_loop3A_320], %parallel_loop3A_323 {strides = array<i32>} : memref<128x32xbf16, #tpu.memory_space<vmem>>, vector<1x32xbf16>,
      } {sc.loop_unroll_factor = 4 : i64, sc.parallel_access}
      %add3A_250 = arith.constant 4 : i32
      %add3A_251 = arith.addi %add3A_234, %add3A_250 : i32
      %dma_start3A_252 = arith.constant 0 : i32
      %dma_start3A_253 = tpu.memref_slice %arg5[%add3A_251, %dma_start3A_252] : memref<26x512xi32, #tpu.memory_space<vmem>> -> memref<1x512xi32, #tpu.memory_space<vmem>>
      %dma_start3A_254 = tpu.memref_squeeze %dma_start3A_253 : memref<1x512xi32, #tpu.memory_space<vmem>> -> memref<512xi32, #tpu.memory_space<vmem>>
      %dma_start3A_255 = arith.constant 0 : i32
      %dma_start3A_256 = arith.constant 0 : i32
      %dma_start3A_257 = tpu.memref_slice %arg2[%dma_start3A_255, %dma_start3A_256] : memref<13312x32xbf16, #tpu.memory_space<hbm>> -> memref<13312x32xbf16, #tpu.memory_space<hbm>>
      tpu.enqueue_indirect_dma source(%dma_start3A_257 : memref<13312x32xbf16, #tpu.memory_space<hbm>>) target(%arg8 : memref<512x32xbf16, #tpu.memory_space<vmem>>) offsets(%dma_start3A_254 : memref<512xi32, #tpu.memory_space<vmem>>) semaphore(%arg16 : memref<!tpu.dma_semaphore, #tpu.memory_space<semaphore_mem>>)
      %mul3A_258 = arith.constant 32 : i32
      %mul3A_259 = arith.muli %add3A_234, %mul3A_258 : i32
      %dma_start3A_260 = tpu.memref_slice %arg4[%mul3A_2, %mul3A_259] : memref<4096x832xbf16, #tpu.memory_space<hbm>> -> memref<128x32xbf16, #tpu.memory_space<hbm>>
      %dma_start3A_261 = tpu.memref_slice %arg4[%mul3A_2, %mul3A_259] : memref<4096x832xbf16, #tpu.memory_space<hbm>> -> memref<128x32xbf16, #tpu.memory_space<hbm>>
      tpu.enqueue_dma source(%arg12 : memref<128x32xbf16, #tpu.memory_space<vmem>>) target(%dma_start3A_261 : memref<128x32xbf16, #tpu.memory_space<hbm>>) target_semaphore(%arg20 : memref<!tpu.dma_semaphore, #tpu.memory_space<semaphore_mem>>)
      %mul3A_262 = arith.constant 4 : i32
      %mul3A_263 = arith.muli %mul3A_262, %scan3A_171 : i32
      %add3A_264 = arith.constant 3 : i32
      %add3A_265 = arith.addi %mul3A_263, %add3A_264 : i32
      %dma_wait3A_266 = arith.constant 0 : i32
      %dma_wait3A_267 = arith.constant 0 : i32
      %dma_wait3A_268 = tpu.memref_slice %arg5[%dma_wait3A_266, %dma_wait3A_267] : memref<26x512xi32, #tpu.memory_space<vmem>> -> memref<1x512xi32, #tpu.memory_space<vmem>>
      %dma_wait3A_269 = tpu.memref_squeeze %dma_wait3A_268 : memref<1x512xi32, #tpu.memory_space<vmem>> -> memref<512xi32, #tpu.memory_space<vmem>>
      %dma_wait3A_270 = arith.constant 0 : i32
      %dma_wait3A_271 = arith.constant 0 : i32
      %dma_wait3A_272 = tpu.memref_slice %arg2[%dma_wait3A_270, %dma_wait3A_271] : memref<13312x32xbf16, #tpu.memory_space<hbm>> -> memref<13312x32xbf16, #tpu.memory_space<hbm>>
      tpu.wait_indirect_dma semaphore(%arg17 : memref<!tpu.dma_semaphore, #tpu.memory_space<semaphore_mem>>) src(%dma_wait3A_272 : memref<13312x32xbf16, #tpu.memory_space<hbm>>) dst(%arg9 : memref<512x32xbf16, #tpu.memory_space<vmem>>)
      %gt3A_273 = arith.constant 0 : i32
      %gt3A_274 = arith.cmpi sgt, %scan3A_171, %gt3A_273 : i32
      %convert_element_type3A_275 = arith.extui %gt3A_274 : i1 to i32
      %cond3A_276 = arith.constant 0 : i32
      %cond3A_277 = arith.cmpi ne, %convert_element_type3A_275, %cond3A_276 : i32
      scf.if %cond3A_277 {
        %dma_wait3A_293 = arith.constant 0 : i32
        %dma_wait3A_294 = tpu.memref_slice %arg4[%mul3A_2, %dma_wait3A_293] : memref<4096x832xbf16, #tpu.memory_space<hbm>> -> memref<128x32xbf16, #tpu.memory_space<hbm>>
        %dma_wait3A_295 = arith.constant 0 : i32
        %dma_wait3A_296 = tpu.memref_slice %arg4[%mul3A_2, %dma_wait3A_295] : memref<4096x832xbf16, #tpu.memory_space<hbm>> -> memref<128x32xbf16, #tpu.memory_space<hbm>>
        tpu.wait_dma2 semaphore(%arg21 : memref<!tpu.dma_semaphore, #tpu.memory_space<semaphore_mem>>) src(%arg13 : memref<128x32xbf16, #tpu.memory_space<vmem>>) dst(%dma_wait3A_296 : memref<128x32xbf16, #tpu.memory_space<hbm>>)
      } else {
      }
      %parallel_loop3A_278 = arith.constant 0 : i32
      %parallel_loop3A_279 = arith.constant 128 : i32
      %parallel_loop3A_280 = arith.constant 1 : i32
      scf.for %parallel_loop3A_293 = %parallel_loop3A_278 to %parallel_loop3A_279 step %parallel_loop3A_280  : i32 {
        %parallel_loop3A_294 = arith.index_cast %parallel_loop3A_293 : i32 to index
        %parallel_loop3A_295 = arith.constant 0 : index
        %parallel_loop3A_296 = tpu.vector_load %arg9[%parallel_loop3A_294, %parallel_loop3A_295] {strides = array<i32>} : memref<512x32xbf16, #tpu.memory_space<vmem>>, vector<1x32xbf16>,
        %parallel_loop3A_297 = vector.shape_cast %parallel_loop3A_296 : vector<1x32xbf16> to vector<32xbf16>
        %parallel_loop3A_298 = arith.constant 128 : i32
        %parallel_loop3A_299 = arith.addi %parallel_loop3A_298, %parallel_loop3A_293 : i32
        %parallel_loop3A_300 = arith.index_cast %parallel_loop3A_299 : i32 to index
        %parallel_loop3A_301 = arith.constant 0 : index
        %parallel_loop3A_302 = tpu.vector_load %arg9[%parallel_loop3A_300, %parallel_loop3A_301] {strides = array<i32>} : memref<512x32xbf16, #tpu.memory_space<vmem>>, vector<1x32xbf16>,
        %parallel_loop3A_303 = vector.shape_cast %parallel_loop3A_302 : vector<1x32xbf16> to vector<32xbf16>
        %parallel_loop3A_304 = arith.addf %parallel_loop3A_297, %parallel_loop3A_303 : vector<32xbf16>
        %parallel_loop3A_305 = arith.constant 256 : i32
        %parallel_loop3A_306 = arith.addi %parallel_loop3A_305, %parallel_loop3A_293 : i32
        %parallel_loop3A_307 = arith.index_cast %parallel_loop3A_306 : i32 to index
        %parallel_loop3A_308 = arith.constant 0 : index
        %parallel_loop3A_309 = tpu.vector_load %arg9[%parallel_loop3A_307, %parallel_loop3A_308] {strides = array<i32>} : memref<512x32xbf16, #tpu.memory_space<vmem>>, vector<1x32xbf16>,
        %parallel_loop3A_310 = vector.shape_cast %parallel_loop3A_309 : vector<1x32xbf16> to vector<32xbf16>
        %parallel_loop3A_311 = arith.constant 384 : i32
        %parallel_loop3A_312 = arith.addi %parallel_loop3A_311, %parallel_loop3A_293 : i32
        %parallel_loop3A_313 = arith.index_cast %parallel_loop3A_312 : i32 to index
        %parallel_loop3A_314 = arith.constant 0 : index
        %parallel_loop3A_315 = tpu.vector_load %arg9[%parallel_loop3A_313, %parallel_loop3A_314] {strides = array<i32>} : memref<512x32xbf16, #tpu.memory_space<vmem>>, vector<1x32xbf16>,
        %parallel_loop3A_316 = vector.shape_cast %parallel_loop3A_315 : vector<1x32xbf16> to vector<32xbf16>
        %parallel_loop3A_317 = arith.addf %parallel_loop3A_310, %parallel_loop3A_316 : vector<32xbf16>
        %parallel_loop3A_318 = arith.addf %parallel_loop3A_304, %parallel_loop3A_317 : vector<32xbf16>
        %parallel_loop3A_319 = arith.index_cast %parallel_loop3A_293 : i32 to index
        %parallel_loop3A_320 = arith.constant 0 : index
        %parallel_loop3A_321 = tpu.vector_load %arg13[%parallel_loop3A_319, %parallel_loop3A_320] {strides = array<i32>} : memref<128x32xbf16, #tpu.memory_space<vmem>>, vector<1x32xbf16>,
        %parallel_loop3A_322 = vector.shape_cast %parallel_loop3A_321 : vector<1x32xbf16> to vector<32xbf16>
        %parallel_loop3A_323 = vector.shape_cast %parallel_loop3A_318 : vector<32xbf16> to vector<1x32xbf16>
        tpu.vector_store %arg13[%parallel_loop3A_319, %parallel_loop3A_320], %parallel_loop3A_323 {strides = array<i32>} : memref<128x32xbf16, #tpu.memory_space<vmem>>, vector<1x32xbf16>,
      } {sc.loop_unroll_factor = 4 : i64, sc.parallel_access}
      %add3A_281 = arith.constant 4 : i32
      %add3A_282 = arith.addi %add3A_265, %add3A_281 : i32
      %dma_start3A_283 = arith.constant 0 : i32
      %dma_start3A_284 = tpu.memref_slice %arg5[%add3A_282, %dma_start3A_283] : memref<26x512xi32, #tpu.memory_space<vmem>> -> memref<1x512xi32, #tpu.memory_space<vmem>>
      %dma_start3A_285 = tpu.memref_squeeze %dma_start3A_284 : memref<1x512xi32, #tpu.memory_space<vmem>> -> memref<512xi32, #tpu.memory_space<vmem>>
      %dma_start3A_286 = arith.constant 0 : i32
      %dma_start3A_287 = arith.constant 0 : i32
      %dma_start3A_288 = tpu.memref_slice %arg2[%dma_start3A_286, %dma_start3A_287] : memref<13312x32xbf16, #tpu.memory_space<hbm>> -> memref<13312x32xbf16, #tpu.memory_space<hbm>>
      tpu.enqueue_indirect_dma source(%dma_start3A_288 : memref<13312x32xbf16, #tpu.memory_space<hbm>>) target(%arg9 : memref<512x32xbf16, #tpu.memory_space<vmem>>) offsets(%dma_start3A_285 : memref<512xi32, #tpu.memory_space<vmem>>) semaphore(%arg17 : memref<!tpu.dma_semaphore, #tpu.memory_space<semaphore_mem>>)
      %mul3A_289 = arith.constant 32 : i32
      %mul3A_290 = arith.muli %add3A_265, %mul3A_289 : i32
      %dma_start3A_291 = tpu.memref_slice %arg4[%mul3A_2, %mul3A_290] : memref<4096x832xbf16, #tpu.memory_space<hbm>> -> memref<128x32xbf16, #tpu.memory_space<hbm>>
      %dma_start3A_292 = tpu.memref_slice %arg4[%mul3A_2, %mul3A_290] : memref<4096x832xbf16, #tpu.memory_space<hbm>> -> memref<128x32xbf16, #tpu.memory_space<hbm>>
      tpu.enqueue_dma source(%arg13 : memref<128x32xbf16, #tpu.memory_space<vmem>>) target(%dma_start3A_292 : memref<128x32xbf16, #tpu.memory_space<hbm>>) target_semaphore(%arg21 : memref<!tpu.dma_semaphore, #tpu.memory_space<semaphore_mem>>)
    }
    %scan3A_34 = arith.constant 5 : i32
    %dma_wait3A = arith.constant 0 : i32
    %dma_wait3A_35 = arith.constant 0 : i32
    %dma_wait3A_36 = tpu.memref_slice %arg5[%dma_wait3A, %dma_wait3A_35] : memref<26x512xi32, #tpu.memory_space<vmem>> -> memref<1x512xi32, #tpu.memory_space<vmem>>
    %dma_wait3A_37 = tpu.memref_squeeze %dma_wait3A_36 : memref<1x512xi32, #tpu.memory_space<vmem>> -> memref<512xi32, #tpu.memory_space<vmem>>
    %dma_wait3A_38 = arith.constant 0 : i32
    %dma_wait3A_39 = arith.constant 0 : i32
    %dma_wait3A_40 = tpu.memref_slice %arg2[%dma_wait3A_38, %dma_wait3A_39] : memref<13312x32xbf16, #tpu.memory_space<hbm>> -> memref<13312x32xbf16, #tpu.memory_space<hbm>>
    tpu.wait_indirect_dma semaphore(%arg14 : memref<!tpu.dma_semaphore, #tpu.memory_space<semaphore_mem>>) src(%dma_wait3A_40 : memref<13312x32xbf16, #tpu.memory_space<hbm>>) dst(%arg6 : memref<512x32xbf16, #tpu.memory_space<vmem>>)
    %dma_wait3A_41 = arith.constant 0 : i32
    %dma_wait3A_42 = tpu.memref_slice %arg4[%mul3A_2, %dma_wait3A_41] : memref<4096x832xbf16, #tpu.memory_space<hbm>> -> memref<128x32xbf16, #tpu.memory_space<hbm>>
    %dma_wait3A_43 = arith.constant 0 : i32
    %dma_wait3A_44 = tpu.memref_slice %arg4[%mul3A_2, %dma_wait3A_43] : memref<4096x832xbf16, #tpu.memory_space<hbm>> -> memref<128x32xbf16, #tpu.memory_space<hbm>>
    tpu.wait_dma2 semaphore(%arg18 : memref<!tpu.dma_semaphore, #tpu.memory_space<semaphore_mem>>) src(%arg10 : memref<128x32xbf16, #tpu.memory_space<vmem>>) dst(%dma_wait3A_44 : memref<128x32xbf16, #tpu.memory_space<hbm>>)
    %parallel_loop3A = arith.constant 0 : i32
    %parallel_loop3A_45 = arith.constant 128 : i32
    %parallel_loop3A_46 = arith.constant 1 : i32
    scf.for %parallel_loop3A_171 = %parallel_loop3A to %parallel_loop3A_45 step %parallel_loop3A_46  : i32 {
      %parallel_loop3A_172 = arith.index_cast %parallel_loop3A_171 : i32 to index
      %parallel_loop3A_173 = arith.constant 0 : index
      %parallel_loop3A_174 = tpu.vector_load %arg6[%parallel_loop3A_172, %parallel_loop3A_173] {strides = array<i32>} : memref<512x32xbf16, #tpu.memory_space<vmem>>, vector<1x32xbf16>,
      %parallel_loop3A_175 = vector.shape_cast %parallel_loop3A_174 : vector<1x32xbf16> to vector<32xbf16>
      %parallel_loop3A_176 = arith.constant 128 : i32
      %parallel_loop3A_177 = arith.addi %parallel_loop3A_176, %parallel_loop3A_171 : i32
      %parallel_loop3A_178 = arith.index_cast %parallel_loop3A_177 : i32 to index
      %parallel_loop3A_179 = arith.constant 0 : index
      %parallel_loop3A_180 = tpu.vector_load %arg6[%parallel_loop3A_178, %parallel_loop3A_179] {strides = array<i32>} : memref<512x32xbf16, #tpu.memory_space<vmem>>, vector<1x32xbf16>,
      %parallel_loop3A_181 = vector.shape_cast %parallel_loop3A_180 : vector<1x32xbf16> to vector<32xbf16>
      %parallel_loop3A_182 = arith.addf %parallel_loop3A_175, %parallel_loop3A_181 : vector<32xbf16>
      %parallel_loop3A_183 = arith.constant 256 : i32
      %parallel_loop3A_184 = arith.addi %parallel_loop3A_183, %parallel_loop3A_171 : i32
      %parallel_loop3A_185 = arith.index_cast %parallel_loop3A_184 : i32 to index
      %parallel_loop3A_186 = arith.constant 0 : index
      %parallel_loop3A_187 = tpu.vector_load %arg6[%parallel_loop3A_185, %parallel_loop3A_186] {strides = array<i32>} : memref<512x32xbf16, #tpu.memory_space<vmem>>, vector<1x32xbf16>,
      %parallel_loop3A_188 = vector.shape_cast %parallel_loop3A_187 : vector<1x32xbf16> to vector<32xbf16>
      %parallel_loop3A_189 = arith.constant 384 : i32
      %parallel_loop3A_190 = arith.addi %parallel_loop3A_189, %parallel_loop3A_171 : i32
      %parallel_loop3A_191 = arith.index_cast %parallel_loop3A_190 : i32 to index
      %parallel_loop3A_192 = arith.constant 0 : index
      %parallel_loop3A_193 = tpu.vector_load %arg6[%parallel_loop3A_191, %parallel_loop3A_192] {strides = array<i32>} : memref<512x32xbf16, #tpu.memory_space<vmem>>, vector<1x32xbf16>,
      %parallel_loop3A_194 = vector.shape_cast %parallel_loop3A_193 : vector<1x32xbf16> to vector<32xbf16>
      %parallel_loop3A_195 = arith.addf %parallel_loop3A_188, %parallel_loop3A_194 : vector<32xbf16>
      %parallel_loop3A_196 = arith.addf %parallel_loop3A_182, %parallel_loop3A_195 : vector<32xbf16>
      %parallel_loop3A_197 = arith.index_cast %parallel_loop3A_171 : i32 to index
      %parallel_loop3A_198 = arith.constant 0 : index
      %parallel_loop3A_199 = tpu.vector_load %arg10[%parallel_loop3A_197, %parallel_loop3A_198] {strides = array<i32>} : memref<128x32xbf16, #tpu.memory_space<vmem>>, vector<1x32xbf16>,
      %parallel_loop3A_200 = vector.shape_cast %parallel_loop3A_199 : vector<1x32xbf16> to vector<32xbf16>
      %parallel_loop3A_201 = vector.shape_cast %parallel_loop3A_196 : vector<32xbf16> to vector<1x32xbf16>
      tpu.vector_store %arg10[%parallel_loop3A_197, %parallel_loop3A_198], %parallel_loop3A_201 {strides = array<i32>} : memref<128x32xbf16, #tpu.memory_space<vmem>>, vector<1x32xbf16>,
    } {sc.loop_unroll_factor = 4 : i64, sc.parallel_access}
    %dma_start3A_47 = arith.constant 24 : i32
    %dma_start3A_48 = arith.constant 0 : i32
    %dma_start3A_49 = tpu.memref_slice %arg5[%dma_start3A_47, %dma_start3A_48] : memref<26x512xi32, #tpu.memory_space<vmem>> -> memref<1x512xi32, #tpu.memory_space<vmem>>
    %dma_start3A_50 = tpu.memref_squeeze %dma_start3A_49 : memref<1x512xi32, #tpu.memory_space<vmem>> -> memref<512xi32, #tpu.memory_space<vmem>>
    %dma_start3A_51 = arith.constant 0 : i32
    %dma_start3A_52 = arith.constant 0 : i32
    %dma_start3A_53 = tpu.memref_slice %arg2[%dma_start3A_51, %dma_start3A_52] : memref<13312x32xbf16, #tpu.memory_space<hbm>> -> memref<13312x32xbf16, #tpu.memory_space<hbm>>
    tpu.enqueue_indirect_dma source(%dma_start3A_53 : memref<13312x32xbf16, #tpu.memory_space<hbm>>) target(%arg6 : memref<512x32xbf16, #tpu.memory_space<vmem>>) offsets(%dma_start3A_50 : memref<512xi32, #tpu.memory_space<vmem>>) semaphore(%arg14 : memref<!tpu.dma_semaphore, #tpu.memory_space<semaphore_mem>>)
    %dma_start3A_54 = arith.constant 640 : i32
    %dma_start3A_55 = tpu.memref_slice %arg4[%mul3A_2, %dma_start3A_54] : memref<4096x832xbf16, #tpu.memory_space<hbm>> -> memref<128x32xbf16, #tpu.memory_space<hbm>>
    %dma_start3A_56 = arith.constant 640 : i32
    %dma_start3A_57 = tpu.memref_slice %arg4[%mul3A_2, %dma_start3A_56] : memref<4096x832xbf16, #tpu.memory_space<hbm>> -> memref<128x32xbf16, #tpu.memory_space<hbm>>
    tpu.enqueue_dma source(%arg10 : memref<128x32xbf16, #tpu.memory_space<vmem>>) target(%dma_start3A_57 : memref<128x32xbf16, #tpu.memory_space<hbm>>) target_semaphore(%arg18 : memref<!tpu.dma_semaphore, #tpu.memory_space<semaphore_mem>>)
    %dma_wait3A_58 = arith.constant 0 : i32
    %dma_wait3A_59 = arith.constant 0 : i32
    %dma_wait3A_60 = tpu.memref_slice %arg5[%dma_wait3A_58, %dma_wait3A_59] : memref<26x512xi32, #tpu.memory_space<vmem>> -> memref<1x512xi32, #tpu.memory_space<vmem>>
    %dma_wait3A_61 = tpu.memref_squeeze %dma_wait3A_60 : memref<1x512xi32, #tpu.memory_space<vmem>> -> memref<512xi32, #tpu.memory_space<vmem>>
    %dma_wait3A_62 = arith.constant 0 : i32
    %dma_wait3A_63 = arith.constant 0 : i32
    %dma_wait3A_64 = tpu.memref_slice %arg2[%dma_wait3A_62, %dma_wait3A_63] : memref<13312x32xbf16, #tpu.memory_space<hbm>> -> memref<13312x32xbf16, #tpu.memory_space<hbm>>
    tpu.wait_indirect_dma semaphore(%arg15 : memref<!tpu.dma_semaphore, #tpu.memory_space<semaphore_mem>>) src(%dma_wait3A_64 : memref<13312x32xbf16, #tpu.memory_space<hbm>>) dst(%arg7 : memref<512x32xbf16, #tpu.memory_space<vmem>>)
    %dma_wait3A_65 = arith.constant 0 : i32
    %dma_wait3A_66 = tpu.memref_slice %arg4[%mul3A_2, %dma_wait3A_65] : memref<4096x832xbf16, #tpu.memory_space<hbm>> -> memref<128x32xbf16, #tpu.memory_space<hbm>>
    %dma_wait3A_67 = arith.constant 0 : i32
    %dma_wait3A_68 = tpu.memref_slice %arg4[%mul3A_2, %dma_wait3A_67] : memref<4096x832xbf16, #tpu.memory_space<hbm>> -> memref<128x32xbf16, #tpu.memory_space<hbm>>
    tpu.wait_dma2 semaphore(%arg19 : memref<!tpu.dma_semaphore, #tpu.memory_space<semaphore_mem>>) src(%arg11 : memref<128x32xbf16, #tpu.memory_space<vmem>>) dst(%dma_wait3A_68 : memref<128x32xbf16, #tpu.memory_space<hbm>>)
    %parallel_loop3A_69 = arith.constant 0 : i32
    %parallel_loop3A_70 = arith.constant 128 : i32
    %parallel_loop3A_71 = arith.constant 1 : i32
    scf.for %parallel_loop3A_171 = %parallel_loop3A_69 to %parallel_loop3A_70 step %parallel_loop3A_71  : i32 {
      %parallel_loop3A_172 = arith.index_cast %parallel_loop3A_171 : i32 to index
      %parallel_loop3A_173 = arith.constant 0 : index
      %parallel_loop3A_174 = tpu.vector_load %arg7[%parallel_loop3A_172, %parallel_loop3A_173] {strides = array<i32>} : memref<512x32xbf16, #tpu.memory_space<vmem>>, vector<1x32xbf16>,
      %parallel_loop3A_175 = vector.shape_cast %parallel_loop3A_174 : vector<1x32xbf16> to vector<32xbf16>
      %parallel_loop3A_176 = arith.constant 128 : i32
      %parallel_loop3A_177 = arith.addi %parallel_loop3A_176, %parallel_loop3A_171 : i32
      %parallel_loop3A_178 = arith.index_cast %parallel_loop3A_177 : i32 to index
      %parallel_loop3A_179 = arith.constant 0 : index
      %parallel_loop3A_180 = tpu.vector_load %arg7[%parallel_loop3A_178, %parallel_loop3A_179] {strides = array<i32>} : memref<512x32xbf16, #tpu.memory_space<vmem>>, vector<1x32xbf16>,
      %parallel_loop3A_181 = vector.shape_cast %parallel_loop3A_180 : vector<1x32xbf16> to vector<32xbf16>
      %parallel_loop3A_182 = arith.addf %parallel_loop3A_175, %parallel_loop3A_181 : vector<32xbf16>
      %parallel_loop3A_183 = arith.constant 256 : i32
      %parallel_loop3A_184 = arith.addi %parallel_loop3A_183, %parallel_loop3A_171 : i32
      %parallel_loop3A_185 = arith.index_cast %parallel_loop3A_184 : i32 to index
      %parallel_loop3A_186 = arith.constant 0 : index
      %parallel_loop3A_187 = tpu.vector_load %arg7[%parallel_loop3A_185, %parallel_loop3A_186] {strides = array<i32>} : memref<512x32xbf16, #tpu.memory_space<vmem>>, vector<1x32xbf16>,
      %parallel_loop3A_188 = vector.shape_cast %parallel_loop3A_187 : vector<1x32xbf16> to vector<32xbf16>
      %parallel_loop3A_189 = arith.constant 384 : i32
      %parallel_loop3A_190 = arith.addi %parallel_loop3A_189, %parallel_loop3A_171 : i32
      %parallel_loop3A_191 = arith.index_cast %parallel_loop3A_190 : i32 to index
      %parallel_loop3A_192 = arith.constant 0 : index
      %parallel_loop3A_193 = tpu.vector_load %arg7[%parallel_loop3A_191, %parallel_loop3A_192] {strides = array<i32>} : memref<512x32xbf16, #tpu.memory_space<vmem>>, vector<1x32xbf16>,
      %parallel_loop3A_194 = vector.shape_cast %parallel_loop3A_193 : vector<1x32xbf16> to vector<32xbf16>
      %parallel_loop3A_195 = arith.addf %parallel_loop3A_188, %parallel_loop3A_194 : vector<32xbf16>
      %parallel_loop3A_196 = arith.addf %parallel_loop3A_182, %parallel_loop3A_195 : vector<32xbf16>
      %parallel_loop3A_197 = arith.index_cast %parallel_loop3A_171 : i32 to index
      %parallel_loop3A_198 = arith.constant 0 : index
      %parallel_loop3A_199 = tpu.vector_load %arg11[%parallel_loop3A_197, %parallel_loop3A_198] {strides = array<i32>} : memref<128x32xbf16, #tpu.memory_space<vmem>>, vector<1x32xbf16>,
      %parallel_loop3A_200 = vector.shape_cast %parallel_loop3A_199 : vector<1x32xbf16> to vector<32xbf16>
      %parallel_loop3A_201 = vector.shape_cast %parallel_loop3A_196 : vector<32xbf16> to vector<1x32xbf16>
      tpu.vector_store %arg11[%parallel_loop3A_197, %parallel_loop3A_198], %parallel_loop3A_201 {strides = array<i32>} : memref<128x32xbf16, #tpu.memory_space<vmem>>, vector<1x32xbf16>,
    } {sc.loop_unroll_factor = 4 : i64, sc.parallel_access}
    %dma_start3A_72 = arith.constant 25 : i32
    %dma_start3A_73 = arith.constant 0 : i32
    %dma_start3A_74 = tpu.memref_slice %arg5[%dma_start3A_72, %dma_start3A_73] : memref<26x512xi32, #tpu.memory_space<vmem>> -> memref<1x512xi32, #tpu.memory_space<vmem>>
    %dma_start3A_75 = tpu.memref_squeeze %dma_start3A_74 : memref<1x512xi32, #tpu.memory_space<vmem>> -> memref<512xi32, #tpu.memory_space<vmem>>
    %dma_start3A_76 = arith.constant 0 : i32
    %dma_start3A_77 = arith.constant 0 : i32
    %dma_start3A_78 = tpu.memref_slice %arg2[%dma_start3A_76, %dma_start3A_77] : memref<13312x32xbf16, #tpu.memory_space<hbm>> -> memref<13312x32xbf16, #tpu.memory_space<hbm>>
    tpu.enqueue_indirect_dma source(%dma_start3A_78 : memref<13312x32xbf16, #tpu.memory_space<hbm>>) target(%arg7 : memref<512x32xbf16, #tpu.memory_space<vmem>>) offsets(%dma_start3A_75 : memref<512xi32, #tpu.memory_space<vmem>>) semaphore(%arg15 : memref<!tpu.dma_semaphore, #tpu.memory_space<semaphore_mem>>)
    %dma_start3A_79 = arith.constant 672 : i32
    %dma_start3A_80 = tpu.memref_slice %arg4[%mul3A_2, %dma_start3A_79] : memref<4096x832xbf16, #tpu.memory_space<hbm>> -> memref<128x32xbf16, #tpu.memory_space<hbm>>
    %dma_start3A_81 = arith.constant 672 : i32
    %dma_start3A_82 = tpu.memref_slice %arg4[%mul3A_2, %dma_start3A_81] : memref<4096x832xbf16, #tpu.memory_space<hbm>> -> memref<128x32xbf16, #tpu.memory_space<hbm>>
    tpu.enqueue_dma source(%arg11 : memref<128x32xbf16, #tpu.memory_space<vmem>>) target(%dma_start3A_82 : memref<128x32xbf16, #tpu.memory_space<hbm>>) target_semaphore(%arg19 : memref<!tpu.dma_semaphore, #tpu.memory_space<semaphore_mem>>)
    %dma_wait3A_83 = arith.constant 0 : i32
    %dma_wait3A_84 = arith.constant 0 : i32
    %dma_wait3A_85 = tpu.memref_slice %arg5[%dma_wait3A_83, %dma_wait3A_84] : memref<26x512xi32, #tpu.memory_space<vmem>> -> memref<1x512xi32, #tpu.memory_space<vmem>>
    %dma_wait3A_86 = tpu.memref_squeeze %dma_wait3A_85 : memref<1x512xi32, #tpu.memory_space<vmem>> -> memref<512xi32, #tpu.memory_space<vmem>>
    %dma_wait3A_87 = arith.constant 0 : i32
    %dma_wait3A_88 = arith.constant 0 : i32
    %dma_wait3A_89 = tpu.memref_slice %arg2[%dma_wait3A_87, %dma_wait3A_88] : memref<13312x32xbf16, #tpu.memory_space<hbm>> -> memref<13312x32xbf16, #tpu.memory_space<hbm>>
    tpu.wait_indirect_dma semaphore(%arg16 : memref<!tpu.dma_semaphore, #tpu.memory_space<semaphore_mem>>) src(%dma_wait3A_89 : memref<13312x32xbf16, #tpu.memory_space<hbm>>) dst(%arg8 : memref<512x32xbf16, #tpu.memory_space<vmem>>)
    %dma_wait3A_90 = arith.constant 0 : i32
    %dma_wait3A_91 = tpu.memref_slice %arg4[%mul3A_2, %dma_wait3A_90] : memref<4096x832xbf16, #tpu.memory_space<hbm>> -> memref<128x32xbf16, #tpu.memory_space<hbm>>
    %dma_wait3A_92 = arith.constant 0 : i32
    %dma_wait3A_93 = tpu.memref_slice %arg4[%mul3A_2, %dma_wait3A_92] : memref<4096x832xbf16, #tpu.memory_space<hbm>> -> memref<128x32xbf16, #tpu.memory_space<hbm>>
    tpu.wait_dma2 semaphore(%arg20 : memref<!tpu.dma_semaphore, #tpu.memory_space<semaphore_mem>>) src(%arg12 : memref<128x32xbf16, #tpu.memory_space<vmem>>) dst(%dma_wait3A_93 : memref<128x32xbf16, #tpu.memory_space<hbm>>)
    %parallel_loop3A_94 = arith.constant 0 : i32
    %parallel_loop3A_95 = arith.constant 128 : i32
    %parallel_loop3A_96 = arith.constant 1 : i32
    scf.for %parallel_loop3A_171 = %parallel_loop3A_94 to %parallel_loop3A_95 step %parallel_loop3A_96  : i32 {
      %parallel_loop3A_172 = arith.index_cast %parallel_loop3A_171 : i32 to index
      %parallel_loop3A_173 = arith.constant 0 : index
      %parallel_loop3A_174 = tpu.vector_load %arg8[%parallel_loop3A_172, %parallel_loop3A_173] {strides = array<i32>} : memref<512x32xbf16, #tpu.memory_space<vmem>>, vector<1x32xbf16>,
      %parallel_loop3A_175 = vector.shape_cast %parallel_loop3A_174 : vector<1x32xbf16> to vector<32xbf16>
      %parallel_loop3A_176 = arith.constant 128 : i32
      %parallel_loop3A_177 = arith.addi %parallel_loop3A_176, %parallel_loop3A_171 : i32
      %parallel_loop3A_178 = arith.index_cast %parallel_loop3A_177 : i32 to index
      %parallel_loop3A_179 = arith.constant 0 : index
      %parallel_loop3A_180 = tpu.vector_load %arg8[%parallel_loop3A_178, %parallel_loop3A_179] {strides = array<i32>} : memref<512x32xbf16, #tpu.memory_space<vmem>>, vector<1x32xbf16>,
      %parallel_loop3A_181 = vector.shape_cast %parallel_loop3A_180 : vector<1x32xbf16> to vector<32xbf16>
      %parallel_loop3A_182 = arith.addf %parallel_loop3A_175, %parallel_loop3A_181 : vector<32xbf16>
      %parallel_loop3A_183 = arith.constant 256 : i32
      %parallel_loop3A_184 = arith.addi %parallel_loop3A_183, %parallel_loop3A_171 : i32
      %parallel_loop3A_185 = arith.index_cast %parallel_loop3A_184 : i32 to index
      %parallel_loop3A_186 = arith.constant 0 : index
      %parallel_loop3A_187 = tpu.vector_load %arg8[%parallel_loop3A_185, %parallel_loop3A_186] {strides = array<i32>} : memref<512x32xbf16, #tpu.memory_space<vmem>>, vector<1x32xbf16>,
      %parallel_loop3A_188 = vector.shape_cast %parallel_loop3A_187 : vector<1x32xbf16> to vector<32xbf16>
      %parallel_loop3A_189 = arith.constant 384 : i32
      %parallel_loop3A_190 = arith.addi %parallel_loop3A_189, %parallel_loop3A_171 : i32
      %parallel_loop3A_191 = arith.index_cast %parallel_loop3A_190 : i32 to index
      %parallel_loop3A_192 = arith.constant 0 : index
      %parallel_loop3A_193 = tpu.vector_load %arg8[%parallel_loop3A_191, %parallel_loop3A_192] {strides = array<i32>} : memref<512x32xbf16, #tpu.memory_space<vmem>>, vector<1x32xbf16>,
      %parallel_loop3A_194 = vector.shape_cast %parallel_loop3A_193 : vector<1x32xbf16> to vector<32xbf16>
      %parallel_loop3A_195 = arith.addf %parallel_loop3A_188, %parallel_loop3A_194 : vector<32xbf16>
      %parallel_loop3A_196 = arith.addf %parallel_loop3A_182, %parallel_loop3A_195 : vector<32xbf16>
      %parallel_loop3A_197 = arith.index_cast %parallel_loop3A_171 : i32 to index
      %parallel_loop3A_198 = arith.constant 0 : index
      %parallel_loop3A_199 = tpu.vector_load %arg12[%parallel_loop3A_197, %parallel_loop3A_198] {strides = array<i32>} : memref<128x32xbf16, #tpu.memory_space<vmem>>, vector<1x32xbf16>,
      %parallel_loop3A_200 = vector.shape_cast %parallel_loop3A_199 : vector<1x32xbf16> to vector<32xbf16>
      %parallel_loop3A_201 = vector.shape_cast %parallel_loop3A_196 : vector<32xbf16> to vector<1x32xbf16>
      tpu.vector_store %arg12[%parallel_loop3A_197, %parallel_loop3A_198], %parallel_loop3A_201 {strides = array<i32>} : memref<128x32xbf16, #tpu.memory_space<vmem>>, vector<1x32xbf16>,
    } {sc.loop_unroll_factor = 4 : i64, sc.parallel_access}
    %dma_start3A_97 = arith.constant 704 : i32
    %dma_start3A_98 = tpu.memref_slice %arg4[%mul3A_2, %dma_start3A_97] : memref<4096x832xbf16, #tpu.memory_space<hbm>> -> memref<128x32xbf16, #tpu.memory_space<hbm>>
    %dma_start3A_99 = arith.constant 704 : i32
    %dma_start3A_100 = tpu.memref_slice %arg4[%mul3A_2, %dma_start3A_99] : memref<4096x832xbf16, #tpu.memory_space<hbm>> -> memref<128x32xbf16, #tpu.memory_space<hbm>>
    tpu.enqueue_dma source(%arg12 : memref<128x32xbf16, #tpu.memory_space<vmem>>) target(%dma_start3A_100 : memref<128x32xbf16, #tpu.memory_space<hbm>>) target_semaphore(%arg20 : memref<!tpu.dma_semaphore, #tpu.memory_space<semaphore_mem>>)
    %dma_wait3A_101 = arith.constant 0 : i32
    %dma_wait3A_102 = arith.constant 0 : i32
    %dma_wait3A_103 = tpu.memref_slice %arg5[%dma_wait3A_101, %dma_wait3A_102] : memref<26x512xi32, #tpu.memory_space<vmem>> -> memref<1x512xi32, #tpu.memory_space<vmem>>
    %dma_wait3A_104 = tpu.memref_squeeze %dma_wait3A_103 : memref<1x512xi32, #tpu.memory_space<vmem>> -> memref<512xi32, #tpu.memory_space<vmem>>
    %dma_wait3A_105 = arith.constant 0 : i32
    %dma_wait3A_106 = arith.constant 0 : i32
    %dma_wait3A_107 = tpu.memref_slice %arg2[%dma_wait3A_105, %dma_wait3A_106] : memref<13312x32xbf16, #tpu.memory_space<hbm>> -> memref<13312x32xbf16, #tpu.memory_space<hbm>>
    tpu.wait_indirect_dma semaphore(%arg17 : memref<!tpu.dma_semaphore, #tpu.memory_space<semaphore_mem>>) src(%dma_wait3A_107 : memref<13312x32xbf16, #tpu.memory_space<hbm>>) dst(%arg9 : memref<512x32xbf16, #tpu.memory_space<vmem>>)
    %dma_wait3A_108 = arith.constant 0 : i32
    %dma_wait3A_109 = tpu.memref_slice %arg4[%mul3A_2, %dma_wait3A_108] : memref<4096x832xbf16, #tpu.memory_space<hbm>> -> memref<128x32xbf16, #tpu.memory_space<hbm>>
    %dma_wait3A_110 = arith.constant 0 : i32
    %dma_wait3A_111 = tpu.memref_slice %arg4[%mul3A_2, %dma_wait3A_110] : memref<4096x832xbf16, #tpu.memory_space<hbm>> -> memref<128x32xbf16, #tpu.memory_space<hbm>>
    tpu.wait_dma2 semaphore(%arg21 : memref<!tpu.dma_semaphore, #tpu.memory_space<semaphore_mem>>) src(%arg13 : memref<128x32xbf16, #tpu.memory_space<vmem>>) dst(%dma_wait3A_111 : memref<128x32xbf16, #tpu.memory_space<hbm>>)
    %parallel_loop3A_112 = arith.constant 0 : i32
    %parallel_loop3A_113 = arith.constant 128 : i32
    %parallel_loop3A_114 = arith.constant 1 : i32
    scf.for %parallel_loop3A_171 = %parallel_loop3A_112 to %parallel_loop3A_113 step %parallel_loop3A_114  : i32 {
      %parallel_loop3A_172 = arith.index_cast %parallel_loop3A_171 : i32 to index
      %parallel_loop3A_173 = arith.constant 0 : index
      %parallel_loop3A_174 = tpu.vector_load %arg9[%parallel_loop3A_172, %parallel_loop3A_173] {strides = array<i32>} : memref<512x32xbf16, #tpu.memory_space<vmem>>, vector<1x32xbf16>,
      %parallel_loop3A_175 = vector.shape_cast %parallel_loop3A_174 : vector<1x32xbf16> to vector<32xbf16>
      %parallel_loop3A_176 = arith.constant 128 : i32
      %parallel_loop3A_177 = arith.addi %parallel_loop3A_176, %parallel_loop3A_171 : i32
      %parallel_loop3A_178 = arith.index_cast %parallel_loop3A_177 : i32 to index
      %parallel_loop3A_179 = arith.constant 0 : index
      %parallel_loop3A_180 = tpu.vector_load %arg9[%parallel_loop3A_178, %parallel_loop3A_179] {strides = array<i32>} : memref<512x32xbf16, #tpu.memory_space<vmem>>, vector<1x32xbf16>,
      %parallel_loop3A_181 = vector.shape_cast %parallel_loop3A_180 : vector<1x32xbf16> to vector<32xbf16>
      %parallel_loop3A_182 = arith.addf %parallel_loop3A_175, %parallel_loop3A_181 : vector<32xbf16>
      %parallel_loop3A_183 = arith.constant 256 : i32
      %parallel_loop3A_184 = arith.addi %parallel_loop3A_183, %parallel_loop3A_171 : i32
      %parallel_loop3A_185 = arith.index_cast %parallel_loop3A_184 : i32 to index
      %parallel_loop3A_186 = arith.constant 0 : index
      %parallel_loop3A_187 = tpu.vector_load %arg9[%parallel_loop3A_185, %parallel_loop3A_186] {strides = array<i32>} : memref<512x32xbf16, #tpu.memory_space<vmem>>, vector<1x32xbf16>,
      %parallel_loop3A_188 = vector.shape_cast %parallel_loop3A_187 : vector<1x32xbf16> to vector<32xbf16>
      %parallel_loop3A_189 = arith.constant 384 : i32
      %parallel_loop3A_190 = arith.addi %parallel_loop3A_189, %parallel_loop3A_171 : i32
      %parallel_loop3A_191 = arith.index_cast %parallel_loop3A_190 : i32 to index
      %parallel_loop3A_192 = arith.constant 0 : index
      %parallel_loop3A_193 = tpu.vector_load %arg9[%parallel_loop3A_191, %parallel_loop3A_192] {strides = array<i32>} : memref<512x32xbf16, #tpu.memory_space<vmem>>, vector<1x32xbf16>,
      %parallel_loop3A_194 = vector.shape_cast %parallel_loop3A_193 : vector<1x32xbf16> to vector<32xbf16>
      %parallel_loop3A_195 = arith.addf %parallel_loop3A_188, %parallel_loop3A_194 : vector<32xbf16>
      %parallel_loop3A_196 = arith.addf %parallel_loop3A_182, %parallel_loop3A_195 : vector<32xbf16>
      %parallel_loop3A_197 = arith.index_cast %parallel_loop3A_171 : i32 to index
      %parallel_loop3A_198 = arith.constant 0 : index
      %parallel_loop3A_199 = tpu.vector_load %arg13[%parallel_loop3A_197, %parallel_loop3A_198] {strides = array<i32>} : memref<128x32xbf16, #tpu.memory_space<vmem>>, vector<1x32xbf16>,
      %parallel_loop3A_200 = vector.shape_cast %parallel_loop3A_199 : vector<1x32xbf16> to vector<32xbf16>
      %parallel_loop3A_201 = vector.shape_cast %parallel_loop3A_196 : vector<32xbf16> to vector<1x32xbf16>
      tpu.vector_store %arg13[%parallel_loop3A_197, %parallel_loop3A_198], %parallel_loop3A_201 {strides = array<i32>} : memref<128x32xbf16, #tpu.memory_space<vmem>>, vector<1x32xbf16>,
    } {sc.loop_unroll_factor = 4 : i64, sc.parallel_access}
    %dma_start3A_115 = arith.constant 736 : i32
    %dma_start3A_116 = tpu.memref_slice %arg4[%mul3A_2, %dma_start3A_115] : memref<4096x832xbf16, #tpu.memory_space<hbm>> -> memref<128x32xbf16, #tpu.memory_space<hbm>>
    %dma_start3A_117 = arith.constant 736 : i32
    %dma_start3A_118 = tpu.memref_slice %arg4[%mul3A_2, %dma_start3A_117] : memref<4096x832xbf16, #tpu.memory_space<hbm>> -> memref<128x32xbf16, #tpu.memory_space<hbm>>
    tpu.enqueue_dma source(%arg13 : memref<128x32xbf16, #tpu.memory_space<vmem>>) target(%dma_start3A_118 : memref<128x32xbf16, #tpu.memory_space<hbm>>) target_semaphore(%arg21 : memref<!tpu.dma_semaphore, #tpu.memory_space<semaphore_mem>>)
    %dma_wait3A_119 = arith.constant 0 : i32
    %dma_wait3A_120 = arith.constant 0 : i32
    %dma_wait3A_121 = tpu.memref_slice %arg5[%dma_wait3A_119, %dma_wait3A_120] : memref<26x512xi32, #tpu.memory_space<vmem>> -> memref<1x512xi32, #tpu.memory_space<vmem>>
    %dma_wait3A_122 = tpu.memref_squeeze %dma_wait3A_121 : memref<1x512xi32, #tpu.memory_space<vmem>> -> memref<512xi32, #tpu.memory_space<vmem>>
    %dma_wait3A_123 = arith.constant 0 : i32
    %dma_wait3A_124 = arith.constant 0 : i32
    %dma_wait3A_125 = tpu.memref_slice %arg2[%dma_wait3A_123, %dma_wait3A_124] : memref<13312x32xbf16, #tpu.memory_space<hbm>> -> memref<13312x32xbf16, #tpu.memory_space<hbm>>
    tpu.wait_indirect_dma semaphore(%arg14 : memref<!tpu.dma_semaphore, #tpu.memory_space<semaphore_mem>>) src(%dma_wait3A_125 : memref<13312x32xbf16, #tpu.memory_space<hbm>>) dst(%arg6 : memref<512x32xbf16, #tpu.memory_space<vmem>>)
    %dma_wait3A_126 = arith.constant 0 : i32
    %dma_wait3A_127 = tpu.memref_slice %arg4[%mul3A_2, %dma_wait3A_126] : memref<4096x832xbf16, #tpu.memory_space<hbm>> -> memref<128x32xbf16, #tpu.memory_space<hbm>>
    %dma_wait3A_128 = arith.constant 0 : i32
    %dma_wait3A_129 = tpu.memref_slice %arg4[%mul3A_2, %dma_wait3A_128] : memref<4096x832xbf16, #tpu.memory_space<hbm>> -> memref<128x32xbf16, #tpu.memory_space<hbm>>
    tpu.wait_dma2 semaphore(%arg18 : memref<!tpu.dma_semaphore, #tpu.memory_space<semaphore_mem>>) src(%arg10 : memref<128x32xbf16, #tpu.memory_space<vmem>>) dst(%dma_wait3A_129 : memref<128x32xbf16, #tpu.memory_space<hbm>>)
    %parallel_loop3A_130 = arith.constant 0 : i32
    %parallel_loop3A_131 = arith.constant 128 : i32
    %parallel_loop3A_132 = arith.constant 1 : i32
    scf.for %parallel_loop3A_171 = %parallel_loop3A_130 to %parallel_loop3A_131 step %parallel_loop3A_132  : i32 {
      %parallel_loop3A_172 = arith.index_cast %parallel_loop3A_171 : i32 to index
      %parallel_loop3A_173 = arith.constant 0 : index
      %parallel_loop3A_174 = tpu.vector_load %arg6[%parallel_loop3A_172, %parallel_loop3A_173] {strides = array<i32>} : memref<512x32xbf16, #tpu.memory_space<vmem>>, vector<1x32xbf16>,
      %parallel_loop3A_175 = vector.shape_cast %parallel_loop3A_174 : vector<1x32xbf16> to vector<32xbf16>
      %parallel_loop3A_176 = arith.constant 128 : i32
      %parallel_loop3A_177 = arith.addi %parallel_loop3A_176, %parallel_loop3A_171 : i32
      %parallel_loop3A_178 = arith.index_cast %parallel_loop3A_177 : i32 to index
      %parallel_loop3A_179 = arith.constant 0 : index
      %parallel_loop3A_180 = tpu.vector_load %arg6[%parallel_loop3A_178, %parallel_loop3A_179] {strides = array<i32>} : memref<512x32xbf16, #tpu.memory_space<vmem>>, vector<1x32xbf16>,
      %parallel_loop3A_181 = vector.shape_cast %parallel_loop3A_180 : vector<1x32xbf16> to vector<32xbf16>
      %parallel_loop3A_182 = arith.addf %parallel_loop3A_175, %parallel_loop3A_181 : vector<32xbf16>
      %parallel_loop3A_183 = arith.constant 256 : i32
      %parallel_loop3A_184 = arith.addi %parallel_loop3A_183, %parallel_loop3A_171 : i32
      %parallel_loop3A_185 = arith.index_cast %parallel_loop3A_184 : i32 to index
      %parallel_loop3A_186 = arith.constant 0 : index
      %parallel_loop3A_187 = tpu.vector_load %arg6[%parallel_loop3A_185, %parallel_loop3A_186] {strides = array<i32>} : memref<512x32xbf16, #tpu.memory_space<vmem>>, vector<1x32xbf16>,
      %parallel_loop3A_188 = vector.shape_cast %parallel_loop3A_187 : vector<1x32xbf16> to vector<32xbf16>
      %parallel_loop3A_189 = arith.constant 384 : i32
      %parallel_loop3A_190 = arith.addi %parallel_loop3A_189, %parallel_loop3A_171 : i32
      %parallel_loop3A_191 = arith.index_cast %parallel_loop3A_190 : i32 to index
      %parallel_loop3A_192 = arith.constant 0 : index
      %parallel_loop3A_193 = tpu.vector_load %arg6[%parallel_loop3A_191, %parallel_loop3A_192] {strides = array<i32>} : memref<512x32xbf16, #tpu.memory_space<vmem>>, vector<1x32xbf16>,
      %parallel_loop3A_194 = vector.shape_cast %parallel_loop3A_193 : vector<1x32xbf16> to vector<32xbf16>
      %parallel_loop3A_195 = arith.addf %parallel_loop3A_188, %parallel_loop3A_194 : vector<32xbf16>
      %parallel_loop3A_196 = arith.addf %parallel_loop3A_182, %parallel_loop3A_195 : vector<32xbf16>
      %parallel_loop3A_197 = arith.index_cast %parallel_loop3A_171 : i32 to index
      %parallel_loop3A_198 = arith.constant 0 : index
      %parallel_loop3A_199 = tpu.vector_load %arg10[%parallel_loop3A_197, %parallel_loop3A_198] {strides = array<i32>} : memref<128x32xbf16, #tpu.memory_space<vmem>>, vector<1x32xbf16>,
      %parallel_loop3A_200 = vector.shape_cast %parallel_loop3A_199 : vector<1x32xbf16> to vector<32xbf16>
      %parallel_loop3A_201 = vector.shape_cast %parallel_loop3A_196 : vector<32xbf16> to vector<1x32xbf16>
      tpu.vector_store %arg10[%parallel_loop3A_197, %parallel_loop3A_198], %parallel_loop3A_201 {strides = array<i32>} : memref<128x32xbf16, #tpu.memory_space<vmem>>, vector<1x32xbf16>,
    } {sc.loop_unroll_factor = 4 : i64, sc.parallel_access}
    %dma_start3A_133 = arith.constant 768 : i32
    %dma_start3A_134 = tpu.memref_slice %arg4[%mul3A_2, %dma_start3A_133] : memref<4096x832xbf16, #tpu.memory_space<hbm>> -> memref<128x32xbf16, #tpu.memory_space<hbm>>
    %dma_start3A_135 = arith.constant 768 : i32
    %dma_start3A_136 = tpu.memref_slice %arg4[%mul3A_2, %dma_start3A_135] : memref<4096x832xbf16, #tpu.memory_space<hbm>> -> memref<128x32xbf16, #tpu.memory_space<hbm>>
    tpu.enqueue_dma source(%arg10 : memref<128x32xbf16, #tpu.memory_space<vmem>>) target(%dma_start3A_136 : memref<128x32xbf16, #tpu.memory_space<hbm>>) target_semaphore(%arg18 : memref<!tpu.dma_semaphore, #tpu.memory_space<semaphore_mem>>)
    %dma_wait3A_137 = arith.constant 0 : i32
    %dma_wait3A_138 = arith.constant 0 : i32
    %dma_wait3A_139 = tpu.memref_slice %arg5[%dma_wait3A_137, %dma_wait3A_138] : memref<26x512xi32, #tpu.memory_space<vmem>> -> memref<1x512xi32, #tpu.memory_space<vmem>>
    %dma_wait3A_140 = tpu.memref_squeeze %dma_wait3A_139 : memref<1x512xi32, #tpu.memory_space<vmem>> -> memref<512xi32, #tpu.memory_space<vmem>>
    %dma_wait3A_141 = arith.constant 0 : i32
    %dma_wait3A_142 = arith.constant 0 : i32
    %dma_wait3A_143 = tpu.memref_slice %arg2[%dma_wait3A_141, %dma_wait3A_142] : memref<13312x32xbf16, #tpu.memory_space<hbm>> -> memref<13312x32xbf16, #tpu.memory_space<hbm>>
    tpu.wait_indirect_dma semaphore(%arg15 : memref<!tpu.dma_semaphore, #tpu.memory_space<semaphore_mem>>) src(%dma_wait3A_143 : memref<13312x32xbf16, #tpu.memory_space<hbm>>) dst(%arg7 : memref<512x32xbf16, #tpu.memory_space<vmem>>)
    %dma_wait3A_144 = arith.constant 0 : i32
    %dma_wait3A_145 = tpu.memref_slice %arg4[%mul3A_2, %dma_wait3A_144] : memref<4096x832xbf16, #tpu.memory_space<hbm>> -> memref<128x32xbf16, #tpu.memory_space<hbm>>
    %dma_wait3A_146 = arith.constant 0 : i32
    %dma_wait3A_147 = tpu.memref_slice %arg4[%mul3A_2, %dma_wait3A_146] : memref<4096x832xbf16, #tpu.memory_space<hbm>> -> memref<128x32xbf16, #tpu.memory_space<hbm>>
    tpu.wait_dma2 semaphore(%arg19 : memref<!tpu.dma_semaphore, #tpu.memory_space<semaphore_mem>>) src(%arg11 : memref<128x32xbf16, #tpu.memory_space<vmem>>) dst(%dma_wait3A_147 : memref<128x32xbf16, #tpu.memory_space<hbm>>)
    %parallel_loop3A_148 = arith.constant 0 : i32
    %parallel_loop3A_149 = arith.constant 128 : i32
    %parallel_loop3A_150 = arith.constant 1 : i32
    scf.for %parallel_loop3A_171 = %parallel_loop3A_148 to %parallel_loop3A_149 step %parallel_loop3A_150  : i32 {
      %parallel_loop3A_172 = arith.index_cast %parallel_loop3A_171 : i32 to index
      %parallel_loop3A_173 = arith.constant 0 : index
      %parallel_loop3A_174 = tpu.vector_load %arg7[%parallel_loop3A_172, %parallel_loop3A_173] {strides = array<i32>} : memref<512x32xbf16, #tpu.memory_space<vmem>>, vector<1x32xbf16>,
      %parallel_loop3A_175 = vector.shape_cast %parallel_loop3A_174 : vector<1x32xbf16> to vector<32xbf16>
      %parallel_loop3A_176 = arith.constant 128 : i32
      %parallel_loop3A_177 = arith.addi %parallel_loop3A_176, %parallel_loop3A_171 : i32
      %parallel_loop3A_178 = arith.index_cast %parallel_loop3A_177 : i32 to index
      %parallel_loop3A_179 = arith.constant 0 : index
      %parallel_loop3A_180 = tpu.vector_load %arg7[%parallel_loop3A_178, %parallel_loop3A_179] {strides = array<i32>} : memref<512x32xbf16, #tpu.memory_space<vmem>>, vector<1x32xbf16>,
      %parallel_loop3A_181 = vector.shape_cast %parallel_loop3A_180 : vector<1x32xbf16> to vector<32xbf16>
      %parallel_loop3A_182 = arith.addf %parallel_loop3A_175, %parallel_loop3A_181 : vector<32xbf16>
      %parallel_loop3A_183 = arith.constant 256 : i32
      %parallel_loop3A_184 = arith.addi %parallel_loop3A_183, %parallel_loop3A_171 : i32
      %parallel_loop3A_185 = arith.index_cast %parallel_loop3A_184 : i32 to index
      %parallel_loop3A_186 = arith.constant 0 : index
      %parallel_loop3A_187 = tpu.vector_load %arg7[%parallel_loop3A_185, %parallel_loop3A_186] {strides = array<i32>} : memref<512x32xbf16, #tpu.memory_space<vmem>>, vector<1x32xbf16>,
      %parallel_loop3A_188 = vector.shape_cast %parallel_loop3A_187 : vector<1x32xbf16> to vector<32xbf16>
      %parallel_loop3A_189 = arith.constant 384 : i32
      %parallel_loop3A_190 = arith.addi %parallel_loop3A_189, %parallel_loop3A_171 : i32
      %parallel_loop3A_191 = arith.index_cast %parallel_loop3A_190 : i32 to index
      %parallel_loop3A_192 = arith.constant 0 : index
      %parallel_loop3A_193 = tpu.vector_load %arg7[%parallel_loop3A_191, %parallel_loop3A_192] {strides = array<i32>} : memref<512x32xbf16, #tpu.memory_space<vmem>>, vector<1x32xbf16>,
      %parallel_loop3A_194 = vector.shape_cast %parallel_loop3A_193 : vector<1x32xbf16> to vector<32xbf16>
      %parallel_loop3A_195 = arith.addf %parallel_loop3A_188, %parallel_loop3A_194 : vector<32xbf16>
      %parallel_loop3A_196 = arith.addf %parallel_loop3A_182, %parallel_loop3A_195 : vector<32xbf16>
      %parallel_loop3A_197 = arith.index_cast %parallel_loop3A_171 : i32 to index
      %parallel_loop3A_198 = arith.constant 0 : index
      %parallel_loop3A_199 = tpu.vector_load %arg11[%parallel_loop3A_197, %parallel_loop3A_198] {strides = array<i32>} : memref<128x32xbf16, #tpu.memory_space<vmem>>, vector<1x32xbf16>,
      %parallel_loop3A_200 = vector.shape_cast %parallel_loop3A_199 : vector<1x32xbf16> to vector<32xbf16>
      %parallel_loop3A_201 = vector.shape_cast %parallel_loop3A_196 : vector<32xbf16> to vector<1x32xbf16>
      tpu.vector_store %arg11[%parallel_loop3A_197, %parallel_loop3A_198], %parallel_loop3A_201 {strides = array<i32>} : memref<128x32xbf16, #tpu.memory_space<vmem>>, vector<1x32xbf16>,
    } {sc.loop_unroll_factor = 4 : i64, sc.parallel_access}
    %dma_start3A_151 = arith.constant 800 : i32
    %dma_start3A_152 = tpu.memref_slice %arg4[%mul3A_2, %dma_start3A_151] : memref<4096x832xbf16, #tpu.memory_space<hbm>> -> memref<128x32xbf16, #tpu.memory_space<hbm>>
    %dma_start3A_153 = arith.constant 800 : i32
    %dma_start3A_154 = tpu.memref_slice %arg4[%mul3A_2, %dma_start3A_153] : memref<4096x832xbf16, #tpu.memory_space<hbm>> -> memref<128x32xbf16, #tpu.memory_space<hbm>>
    tpu.enqueue_dma source(%arg11 : memref<128x32xbf16, #tpu.memory_space<vmem>>) target(%dma_start3A_154 : memref<128x32xbf16, #tpu.memory_space<hbm>>) target_semaphore(%arg19 : memref<!tpu.dma_semaphore, #tpu.memory_space<semaphore_mem>>)
    %dma_wait3A_155 = arith.constant 0 : i32
    %dma_wait3A_156 = tpu.memref_slice %arg4[%mul3A_2, %dma_wait3A_155] : memref<4096x832xbf16, #tpu.memory_space<hbm>> -> memref<128x32xbf16, #tpu.memory_space<hbm>>
    %dma_wait3A_157 = arith.constant 0 : i32
    %dma_wait3A_158 = tpu.memref_slice %arg4[%mul3A_2, %dma_wait3A_157] : memref<4096x832xbf16, #tpu.memory_space<hbm>> -> memref<128x32xbf16, #tpu.memory_space<hbm>>
    tpu.wait_dma2 semaphore(%arg18 : memref<!tpu.dma_semaphore, #tpu.memory_space<semaphore_mem>>) src(%arg10 : memref<128x32xbf16, #tpu.memory_space<vmem>>) dst(%dma_wait3A_158 : memref<128x32xbf16, #tpu.memory_space<hbm>>)
    %dma_wait3A_159 = arith.constant 0 : i32
    %dma_wait3A_160 = tpu.memref_slice %arg4[%mul3A_2, %dma_wait3A_159] : memref<4096x832xbf16, #tpu.memory_space<hbm>> -> memref<128x32xbf16, #tpu.memory_space<hbm>>
    %dma_wait3A_161 = arith.constant 0 : i32
    %dma_wait3A_162 = tpu.memref_slice %arg4[%mul3A_2, %dma_wait3A_161] : memref<4096x832xbf16, #tpu.memory_space<hbm>> -> memref<128x32xbf16, #tpu.memory_space<hbm>>
    tpu.wait_dma2 semaphore(%arg19 : memref<!tpu.dma_semaphore, #tpu.memory_space<semaphore_mem>>) src(%arg11 : memref<128x32xbf16, #tpu.memory_space<vmem>>) dst(%dma_wait3A_162 : memref<128x32xbf16, #tpu.memory_space<hbm>>)
    %dma_wait3A_163 = arith.constant 0 : i32
    %dma_wait3A_164 = tpu.memref_slice %arg4[%mul3A_2, %dma_wait3A_163] : memref<4096x832xbf16, #tpu.memory_space<hbm>> -> memref<128x32xbf16, #tpu.memory_space<hbm>>
    %dma_wait3A_165 = arith.constant 0 : i32
    %dma_wait3A_166 = tpu.memref_slice %arg4[%mul3A_2, %dma_wait3A_165] : memref<4096x832xbf16, #tpu.memory_space<hbm>> -> memref<128x32xbf16, #tpu.memory_space<hbm>>
    tpu.wait_dma2 semaphore(%arg20 : memref<!tpu.dma_semaphore, #tpu.memory_space<semaphore_mem>>) src(%arg12 : memref<128x32xbf16, #tpu.memory_space<vmem>>) dst(%dma_wait3A_166 : memref<128x32xbf16, #tpu.memory_space<hbm>>)
    %dma_wait3A_167 = arith.constant 0 : i32
    %dma_wait3A_168 = tpu.memref_slice %arg4[%mul3A_2, %dma_wait3A_167] : memref<4096x832xbf16, #tpu.memory_space<hbm>> -> memref<128x32xbf16, #tpu.memory_space<hbm>>
    %dma_wait3A_169 = arith.constant 0 : i32
    %dma_wait3A_170 = tpu.memref_slice %arg4[%mul3A_2, %dma_wait3A_169] : memref<4096x832xbf16, #tpu.memory_space<hbm>> -> memref<128x32xbf16, #tpu.memory_space<hbm>>
    tpu.wait_dma2 semaphore(%arg21 : memref<!tpu.dma_semaphore, #tpu.memory_space<semaphore_mem>>) src(%arg13 : memref<128x32xbf16, #tpu.memory_space<vmem>>) dst(%dma_wait3A_170 : memref<128x32xbf16, #tpu.memory_space<hbm>>)
    return
  }
}

module attributes {stable_mosaic.version = 14 : i64} {
  func.func @body(%arg0: memref<4096x832xbf16, #tpu.memory_space<vmem>>, %arg1: memref<1x832xf32, #tpu.memory_space<vmem>>, %arg2: memref<1x832xf32, #tpu.memory_space<vmem>>, %arg3: memref<1x832xf32, #tpu.memory_space<vmem>>, %arg4: memref<1x26xf32, #tpu.memory_space<vmem>>, %arg5: memref<4096x26xf32, #tpu.memory_space<vmem>>, %arg6: memref<4096x1xf32, #tpu.memory_space<vmem>>) attributes {dimension_semantics = [], scalar_prefetch = 0 : i64, scratch_operands = 0 : i64, tpu.core_type = #tpu.core_type<tc>} {
    %get3A = arith.constant 0 : index
    %get3A_0 = arith.constant 0 : index
    %get3A_1 = vector.load %arg0[%get3A, %get3A_0] : memref<4096x832xbf16, #tpu.memory_space<vmem>>, vector<4096x832xbf16>
    %convert_element_type3A = arith.extf %get3A_1 : vector<4096x832xbf16> to vector<4096x832xf32>
    %broadcast_in_dim3A = arith.constant 1.000000e+00 : f32
    %broadcast_in_dim3A_2 = vector.broadcast %broadcast_in_dim3A : f32 to vector<1x4096xf32>
    %dot_general3A = arith.constant dense<0.000000e+00> : vector<1x832xf32>
    %dot_general3A_3 = tpu.matmul %broadcast_in_dim3A_2, %convert_element_type3A, %dot_general3A {dimension_numbers = #tpu.dot_dimension_numbers<[1], [0], [0], [1], [0, 0, 1, 1], [], []>, transpose_lhs_hint = false} : vector<1x4096xf32>, vector<4096x832xf32>, vector<1x832xf32> -> vector<1x832xf32>
    %mul3A = arith.mulf %convert_element_type3A, %convert_element_type3A : vector<4096x832xf32>
    %dot_general3A_4 = arith.constant dense<0.000000e+00> : vector<1x832xf32>
    %dot_general3A_5 = tpu.matmul %broadcast_in_dim3A_2, %mul3A, %dot_general3A_4 {dimension_numbers = #tpu.dot_dimension_numbers<[1], [0], [0], [1], [0, 0, 1, 1], [], []>, transpose_lhs_hint = false} : vector<1x4096xf32>, vector<4096x832xf32>, vector<1x832xf32> -> vector<1x832xf32>
    %div3A = arith.constant 4.096000e+03 : f32
    %div3A_6 = vector.broadcast %div3A : f32 to vector<1x832xf32>
    %div3A_7 = arith.divf %dot_general3A_3, %div3A_6 : vector<1x832xf32>
    %div3A_8 = arith.constant 4.096000e+03 : f32
    %div3A_9 = vector.broadcast %div3A_8 : f32 to vector<1x832xf32>
    %div3A_10 = arith.divf %dot_general3A_5, %div3A_9 : vector<1x832xf32>
    %mul3A_11 = arith.mulf %div3A_7, %div3A_7 : vector<1x832xf32>
    %sub3A = arith.subf %div3A_10, %mul3A_11 : vector<1x832xf32>
    %add3A = arith.constant 9.99999974E-6 : f32
    %add3A_12 = vector.broadcast %add3A : f32 to vector<1x832xf32>
    %add3A_13 = arith.addf %sub3A, %add3A_12 : vector<1x832xf32>
    %rsqrt3A = math.rsqrt %add3A_13 : vector<1x832xf32>
    %get3A_14 = arith.constant 0 : index
    %get3A_15 = arith.constant 0 : index
    %get3A_16 = vector.load %arg1[%get3A_14, %get3A_15] : memref<1x832xf32, #tpu.memory_space<vmem>>, vector<1x832xf32>
    %mul3A_17 = arith.mulf %get3A_16, %rsqrt3A : vector<1x832xf32>
    %get3A_18 = arith.constant 0 : index
    %get3A_19 = arith.constant 0 : index
    %get3A_20 = vector.load %arg3[%get3A_18, %get3A_19] : memref<1x832xf32, #tpu.memory_space<vmem>>, vector<1x832xf32>
    %mul3A_21 = arith.mulf %mul3A_17, %get3A_20 : vector<1x832xf32>
    %get3A_22 = arith.constant 0 : index
    %get3A_23 = arith.constant 0 : index
    %get3A_24 = vector.load %arg2[%get3A_22, %get3A_23] : memref<1x832xf32, #tpu.memory_space<vmem>>, vector<1x832xf32>
    %mul3A_25 = arith.mulf %div3A_7, %mul3A_17 : vector<1x832xf32>
    %sub3A_26 = arith.subf %get3A_24, %mul3A_25 : vector<1x832xf32>
    %mul3A_27 = arith.mulf %sub3A_26, %get3A_20 : vector<1x832xf32>
    %iota3A = tpu.iota {dimensions = array<i32: 0>} : vector<832x26xi32>
    %iota3A_28 = tpu.iota {dimensions = array<i32: 1>} : vector<832x26xi32>
    %jit3A = arith.constant 32 : i32
    %div3A_29 = vector.broadcast %jit3A : i32 to vector<832x26xi32>
    %div3A_30 = arith.divsi %iota3A, %div3A_29 : vector<832x26xi32>
    %sign3A = arith.constant 0 : i32
    %sign3A_31 = vector.broadcast %sign3A : i32 to vector<832x26xi32>
    %sign3A_32 = arith.cmpi sgt, %iota3A, %sign3A_31 : vector<832x26xi32>
    %sign3A_33 = arith.extui %sign3A_32 : vector<832x26xi1> to vector<832x26xi32>
    %sign3A_34 = arith.constant 0 : i32
    %sign3A_35 = vector.broadcast %sign3A_34 : i32 to vector<832x26xi32>
    %sign3A_36 = arith.cmpi slt, %iota3A, %sign3A_35 : vector<832x26xi32>
    %sign3A_37 = arith.extui %sign3A_36 : vector<832x26xi1> to vector<832x26xi32>
    %sign3A_38 = arith.subi %sign3A_33, %sign3A_37 : vector<832x26xi32>
    %sign3A_39 = arith.constant 0 : i32
    %sign3A_40 = arith.cmpi sgt, %jit3A, %sign3A_39 : i32
    %sign3A_41 = arith.extui %sign3A_40 : i1 to i32
    %sign3A_42 = arith.constant 0 : i32
    %sign3A_43 = arith.cmpi slt, %jit3A, %sign3A_42 : i32
    %sign3A_44 = arith.extui %sign3A_43 : i1 to i32
    %sign3A_45 = arith.subi %sign3A_41, %sign3A_44 : i32
    %ne3A = vector.broadcast %sign3A_45 : i32 to vector<832x26xi32>
    %ne3A_46 = arith.cmpi ne, %sign3A_38, %ne3A : vector<832x26xi32>
    %rem3A = vector.broadcast %jit3A : i32 to vector<832x26xi32>
    %rem3A_47 = arith.remsi %iota3A, %rem3A : vector<832x26xi32>
    %ne3A_48 = arith.constant 0 : i32
    %ne3A_49 = vector.broadcast %ne3A_48 : i32 to vector<832x26xi32>
    %ne3A_50 = arith.cmpi ne, %rem3A_47, %ne3A_49 : vector<832x26xi32>
    %and3A = arith.andi %ne3A_46, %ne3A_50 : vector<832x26xi1>
    %sub3A_51 = arith.constant 1 : i32
    %sub3A_52 = vector.broadcast %sub3A_51 : i32 to vector<832x26xi32>
    %sub3A_53 = arith.subi %div3A_30, %sub3A_52 : vector<832x26xi32>
    %select_n3A = arith.select %and3A, %sub3A_53, %div3A_30 : vector<832x26xi1>, vector<832x26xi32>
    %eq3A = arith.cmpi eq, %select_n3A, %iota3A_28 : vector<832x26xi32>
    %jit3A_54 = arith.constant 1.000000e+00 : f32
    %jit3A_55 = arith.constant 0.000000e+00 : f32
    %broadcast_in_dim3A_56 = vector.broadcast %jit3A_54 : f32 to vector<832x26xf32>
    %broadcast_in_dim3A_57 = vector.broadcast %jit3A_55 : f32 to vector<832x26xf32>
    %select_n3A_58 = arith.select %eq3A, %broadcast_in_dim3A_56, %broadcast_in_dim3A_57 : vector<832x26xi1>, vector<832x26xf32>
    %dot_general3A_59 = arith.constant dense<0.000000e+00> : vector<1x26xf32>
    %dot_general3A_60 = tpu.matmul %mul3A_27, %select_n3A_58, %dot_general3A_59 {dimension_numbers = #tpu.dot_dimension_numbers<[1], [0], [0], [1], [0, 0, 1, 1], [], []>, transpose_lhs_hint = false} : vector<1x832xf32>, vector<832x26xf32>, vector<1x26xf32> -> vector<1x26xf32>
    %get3A_61 = arith.constant 0 : index
    %get3A_62 = arith.constant 0 : index
    %get3A_63 = vector.load %arg4[%get3A_61, %get3A_62] : memref<1x26xf32, #tpu.memory_space<vmem>>, vector<1x26xf32>
    %add3A_64 = arith.addf %dot_general3A_60, %get3A_63 : vector<1x26xf32>
    %mul3A_65 = vector.broadcast %mul3A_21 : vector<1x832xf32> to vector<4096x832xf32>
    %mul3A_66 = arith.mulf %convert_element_type3A, %mul3A_65 : vector<4096x832xf32>
    %dot_general3A_67 = arith.constant dense<0.000000e+00> : vector<4096x26xf32>
    %dot_general3A_68 = tpu.matmul %mul3A_66, %select_n3A_58, %dot_general3A_67 {dimension_numbers = #tpu.dot_dimension_numbers<[1], [0], [0], [1], [0, 0, 1, 1], [], []>, transpose_lhs_hint = false} : vector<4096x832xf32>, vector<832x26xf32>, vector<4096x26xf32> -> vector<4096x26xf32>
    %add3A_69 = vector.broadcast %add3A_64 : vector<1x26xf32> to vector<4096x26xf32>
    %add3A_70 = arith.addf %dot_general3A_68, %add3A_69 : vector<4096x26xf32>
    %swap3A = arith.constant 0 : index
    %swap3A_71 = arith.constant 0 : index
    %swap3A_72 = vector.load %arg5[%swap3A, %swap3A_71] : memref<4096x26xf32, #tpu.memory_space<vmem>>, vector<4096x26xf32>
    tpu.vector_store %arg5[%swap3A, %swap3A_71], %add3A_70 {strides = array<i32>} : memref<4096x26xf32, #tpu.memory_space<vmem>>, vector<4096x26xf32>,
    %reduce_sum3A = arith.constant dense<0.000000e+00> : vector<4096xf32>
    %reduce_sum3A_73 = vector.multi_reduction <add>, %add3A_70, %reduce_sum3A [1] : vector<4096x26xf32> to vector<4096xf32>
    %broadcast_in_dim3A_74 = vector.shape_cast %reduce_sum3A_73 : vector<4096xf32> to vector<4096x1xf32>
    %swap3A_75 = arith.constant 0 : index
    %swap3A_76 = arith.constant 0 : index
    %swap3A_77 = vector.load %arg6[%swap3A_75, %swap3A_76] : memref<4096x1xf32, #tpu.memory_space<vmem>>, vector<4096x1xf32>
    tpu.vector_store %arg6[%swap3A_75, %swap3A_76], %broadcast_in_dim3A_74 {strides = array<i32>} : memref<4096x1xf32, #tpu.memory_space<vmem>>, vector<4096x1xf32>,
    return
  }
}

</mosaic_0001>

<sc_bundles>
// kernel: kernel.4.cloned.1.call-start
scs
__scs_entry_jumppad:
0x0: {  	(pc) =	sbr.rel $0x88, $3  }
0x1: {  	(tag) =	ssettag $0x0;
	lr =	simm.s32 $0x1  }
0x2: {  	[smem:$0x3F9B] =	sst lr;
	_ =	strace $0xD0000000  }
0x3: {  	_ = 	snop  }
0x4: {  	_ = 	snop  }
0x5: {  	_ = 	snop  }
0x6: {  	_ = 	snop  }
0x7: {  	_ = 	snop  }
__scs_overlays_trampoline_lowered:
0x8: {  	[smem:$0x3FAA] =	sst s0  }
0x9: {  	[smem:$0x3FAB] =	sst s1  }
0xa: {  	[smem:$0x3FAC] =	sst s2  }
0xb: {  	[smem:$0x3FAD] =	sst s3  }
0xc: {  	[smem:$0x3FAE] =	sst s4  }
0xd: {  	[smem:$0x3FAF] =	sst s5  }
0xe: {  	[smem:$0x3FB0] =	sst s6  }
0xf: {  	[smem:$0x3FB1] =	sst s7  }
0x10: {  	[smem:$0x3FB2] =	sst s8  }
0x11: {  	[smem:$0x3FB3] =	sst s9;
	s0 =	simm.s32 @!p0 $0x0  }
0x12: {  	s1 =	sld [smem:$0x3F99];
	s0 =	simm.s32 @p0 $0x1  }
0x13: {  	[smem:$0x3FB4] =	sst s0;
	s0 =	simm.s32 @!p1 $0x0  }
0x14: {  	s2 =	sld [smem:$0x3F98];
	s0 =	simm.s32 @p1 $0x1  }
0x15: {  	[smem:$0x3FB5] =	sst s0;
	s0 =	simm.s32 @!p2 $0x0  }
0x16: {  	s3 =	sld [smem:$0x3FDB];
	s0 =	simm.s32 @p2 $0x1  }
0x17: {  	s4 =	simm.s32 $0x1BF5;
	[smem:$0x3FB7] =	sst s0  }
0x18: {  	s0 =	sld [smem:$0x3F9A];
	_ =	swait.ge [sflag:s4], $0x0  }
0x19: {  	s7 =	sld [smem:$0x3F9B]  }
0x1a: {  	s8 =	sadd.s32 $0xFFFFE003, lr  }
0x1b: {  	s9 =	sadd.s32 $0xFFFFFEF7, lr;
	s5 =	simm.s32 $0xFFFFFFFF;
	p2 =	slt.u32 s8, $0xFFFFF086  }
0x1c: {  	p1 =	slt.u32 s9, $0xF7A;
	s5 =	simm.s32 @!p2 $0x0  }
0x1d: {  	s5 =	simm.s32 @p1 $0x1;
	p0 =	seq.s32 s7, s2  }
0x1e: {  	s7 =	smul.u32 @!p0 $0xF7A, s2;
	p2 =	seq.s32 @!p0 s5, $0x0  }
0x1f: {  	s9 =	smul.u32 $0xF7A, s1;
	s8 =	simm.s32 @!p0 $0x1BF5;
	p2 =	por !p2, p0  }
0x20: {  	[sflag:s8] =	ssyncset.s32 @!p0 $0xFFFFF086;
	s6 =	sadd.s32 @!p0 s3, s7;
	s7 =	simm.s32 @!p0 $0x108  }
0x21: {  	s3 =	sadd.s32 s3, s9;
	s6 =	sadd.s32 @!p0 $0x88, s6;
	s7 =	simm.s32 @p2 $0x1082  }
0x22: {  	[simem:s7], [sflag:s8] =	dma.local @!p0 [hbm:s6], $0xF7A  }
0x23: {  	s9 =	sor.u32 $0xD0000000, s2;
	s6 =	simm.s32 $0x108;
	_ =	swait.ge @!p0 [sflag:s8], $0x0  }
0x24: {  	s3 =	sadd.s32 $0x88, s3;
	s6 =	simm.s32 @!p1 $0x1082;
	[sflag:s4] =	ssyncset.s32 $0xFFFFF086  }
0x25: {  	[simem:s6], [sflag:s4] =	dma.local [hbm:s3], $0xF7A  }
0x26: {  	[smem:$0x3F9B] =	sst s1;
	(tag) =	ssettag s2;
	_ =	strace s9  }
0x27: {  	s1 =	sld [smem:$0x3FAB]  }
0x28: {  	s2 =	sld [smem:$0x3FAC]  }
0x29: {  	s4 =	sld [smem:$0x3FAE]  }
0x2a: {  	p0 =	seq.s32 s5, $0x0;
	s5 =	sld [smem:$0x3FAF]  }
0x2b: {  	s6 =	sld [smem:$0x3FB0]  }
0x2c: {  	s7 =	sld [smem:$0x3FB1]  }
0x2d: {  	s3 =	simm.s32 $0x108;
	s8 =	sld [smem:$0x3FB2]  }
0x2e: {  	s3 =	simm.s32 @!p0 $0x1082;
	s9 =	sld [smem:$0x3FB3]  }
0x2f: {  	lr =	sadd.s32 s0, s3;
	s0 =	sld [smem:$0x3FAA]  }
0x30: {  	s3 =	sld [smem:$0x3FAD]  }
0x31: {  	[smem:$0x3FB6] =	sst s10  }
0x32: {  	s10 =	sld [smem:$0x3FB4];
	_ =	sdelay $0x3  }
0x33: {  	p0 =	seq.s32 s10, $0x1;
	s10 =	sld [smem:$0x3FB6];
	_ =	sdelay $0x3  }
0x34: {  	[smem:$0x3FB6] =	sst s10  }
0x35: {  	s10 =	sld [smem:$0x3FB5];
	_ =	sdelay $0x3  }
0x36: {  	p1 =	seq.s32 s10, $0x1;
	s10 =	sld [smem:$0x3FB6];
	_ =	sdelay $0x3  }
0x37: {  	[smem:$0x3FB6] =	sst s10  }
0x38: {  	s10 =	sld [smem:$0x3FB7]  }
0x39: {  	_ = 	snop;
	(pc) =	sbr.ind lr, $3  }
0x3a: {  	_ = 	snop  }
0x3b: {  	_ = 	snop  }
0x3c: {  	p2 =	seq.s32 s10, $0x1;
	s10 =	sld [smem:$0x3FB6]  }
0x3d: {  	_ =	shalt  }
0x3e: {  	_ =	shalt  }
0x3f: {  	_ =	shalt  }
0x40: {  	_ =	shalt  }
0x41: {  	_ =	shalt  }
0x42: {  	_ =	shalt  }
0x43: {  	_ =	shalt  }
0x44: {  	_ =	shalt  }
0x45: {  	_ =	shalt  }
0x46: {  	_ =	shalt  }
0x47: {  	_ =	shalt  }
0x48: {  	_ =	shalt  }
0x49: {  	_ =	shalt  }
0x4a: {  	_ =	shalt  }
0x4b: {  	_ =	shalt  }
0x4c: {  	_ =	shalt  }
0x4d: {  	_ =	shalt  }
0x4e: {  	_ =	shalt  }
0x4f: {  	_ =	shalt  }
0x50: {  	_ =	shalt  }
0x51: {  	_ =	shalt  }
0x52: {  	_ =	shalt  }
0x53: {  	_ =	shalt  }
0x54: {  	_ =	shalt  }
0x55: {  	_ =	shalt  }
0x56: {  	_ =	shalt  }
0x57: {  	_ =	shalt  }
0x58: {  	_ =	shalt  }
0x59: {  	_ =	shalt  }
0x5a: {  	_ =	shalt  }
0x5b: {  	_ =	shalt  }
0x5c: {  	_ =	shalt  }
0x5d: {  	_ =	shalt  }
0x5e: {  	_ =	shalt  }
0x5f: {  	_ =	shalt  }
0x60: {  	_ =	shalt  }
0x61: {  	_ =	shalt  }
0x62: {  	_ =	shalt  }
0x63: {  	_ =	shalt  }
0x64: {  	_ =	shalt  }
0x65: {  	_ =	shalt  }
0x66: {  	_ =	shalt  }
0x67: {  	_ =	shalt  }
0x68: {  	_ =	shalt  }
0x69: {  	_ =	shalt  }
0x6a: {  	_ =	shalt  }
0x6b: {  	_ =	shalt  }
0x6c: {  	_ =	shalt  }
0x6d: {  	_ =	shalt  }
0x6e: {  	_ =	shalt  }
0x6f: {  	_ =	shalt  }
0x70: {  	_ =	shalt  }
0x71: {  	_ =	shalt  }
0x72: {  	_ =	shalt  }
0x73: {  	_ =	shalt  }
0x74: {  	_ =	shalt  }
0x75: {  	_ =	shalt  }
0x76: {  	_ =	shalt  }
0x77: {  	_ =	shalt  }
0x78: {  	_ =	shalt  }
0x79: {  	_ =	shalt  }
0x7a: {  	_ =	shalt  }
0x7b: {  	_ =	shalt  }
0x7c: {  	_ =	shalt  }
0x7d: {  	_ =	shalt  }
0x7e: {  	_ =	shalt  }
0x7f: {  	_ =	shalt  }
0x80: {  	_ =	shalt  }
0x81: {  	_ =	shalt  }
0x82: {  	_ =	shalt  }
0x83: {  	_ =	shalt  }
0x84: {  	_ =	shalt  }
0x85: {  	_ =	shalt  }
0x86: {  	_ =	shalt  }
0x87: {  	_ =	shalt  }
.Lfunc_end0:
.L_simem_size_0:
called_computation_lowered:
.L_overlay_start_0:
0x88: {  	s2 =	sld [smem:$0x3FD9]  }
0x89: {  	s3 =	sld [smem:$0x3FFE];
	_ =	sdelay $0x1  }
0x8a: {  	s1 =	srdreg.scid  }
0x8b: {  	s0 =	sand.u32 $0x1, s1  }
0x8c: {  	s16 =	sshll.u32 s0, $0xA;
	s2 =	sadd.s32 s3, s2  }
0x8d: {  	s2 =	sadd.s32 s2, s16  }
0x8e: {  	[smem:$0x3FC2] =	sst s2  }
0x8f: {  	_ = 	snop  }
0x90: {  	(tm) =	ssettm $0x1  }
0x91: {  	s17 =	sld [smem:$0x3FFB];
	_ =	sdelay $0x3  }
0x92: {  	_ =	strace s17  }
0x93: {  	s2 =	sld [smem:$0x3FFC];
	_ =	sdelay $0x3  }
0x94: {  	_ =	strace s2  }
0x95: {  	s2 =	sld [smem:$0x3FFD];
	_ =	sdelay $0x3  }
0x96: {  	_ =	strace s2  }
0x97: {  	_ =	strace $0x8FFFFFFF  }
0x98: {  	s18 =	sld [smem:$0x3FDB];
	_ =	sdelay $0x1  }
0x99: {  	s19 =	simm.s32 $_scs_section_size  }
0x9a: {  	s4 =	simm.s32 $_size__tile_overlayer_lowered;
	s5 =	simm.s32 $_tile_overlayer_lowered  }
0x9b: {  	s22 =	simm.s32 $0x1BFF;
	s21 =	sshll.u32 s5, $0x1;
	s2 =	sadd.s32 s19, s18  }
0x9c: {  	s6 =	simm.s32 $0x0;
	s20 =	sshll.u32 s4, $0x1;
	s4 =	sadd.s32 s21, s2  }
0x9d: {  	[timem:s6], [sflag:s22] =	dma.local [hbm:s4], s20  }
0x9e: {  	_ =	swait.ge [sflag:s22], s20  }
0x9f: {  	s3 =	ssub.s32 $0x0, s20;
	[sflag:s22] =	ssyncset.done $0x0  }
0xa0: {  	[sflag:s22] =	ssyncadd.s32 s3;
	_ =	sdelay $0x1  }
0xa1: {  	s23 =	simm.s32 $0x1B8B  }
0xa2: {  	_ =	swait.ge [sflag:s23], $0x1  }
0xa3: {  	[sflag:s23] =	ssyncset.done $0x0  }
0xa4: {  	s25 =	simm.s32 $0x1B8E;
	s24 =	sld [smem:$0x3FFE];
	[sflag:s23] =	ssyncadd.s32 $0xFFFFFFFF  }
0xa5: {  	s26 =	simm.s32 $execute0_lowered;
	[smem:$0x3FD2] =	sst s25  }
0xa6: {  	s4 =	sshll.u32 s26, $0x1;
	_ =	strace $0x80000046;
	[dreg:$0x1] =	wrdreg $0xFFFFFFFF  }
0xa7: {  	s28 =	simm.s32 $_size_execute0_lowered;
	s2 =	sadd.s32 s2, s4;
	[dreg:$0x0] =	wrdreg $0x0  }
0xa8: {  	s4 =	sshll.u32 s28, $0x1;
	[dreg:$0x2] =	wrdreg s2  }
0xa9: {  	[dreg:$0x3] =	wrdreg s4  }
0xaa: {  	[dreg:$0x4] =	wrdreg $0xC0  }
0xab: {  	_ =	task [dreg:s6], $0x5FFFF  }
0xac: {  	[dreg:$0x1] =	wrdreg $0xFFFFFFFF  }
0xad: {  	[dreg:$0x0] =	wrdreg $0x60  }
0xae: {  	[dreg:$0x2] =	wrdreg s24  }
0xaf: {  	[dreg:$0x3] =	wrdreg $0x9  }
0xb0: {  	_ =	task.clear_ibuf [dreg:s6], $0x4FFFF;
	_ =	strace $0x90000046  }
0xb1: {  	s29 =	simm.s32 $0x9;
	_ =	strace $0x80000048  }
0xb2: {  	_ =	swait.ge [sflag:s29], $0x1  }
0xb3: {  	[sflag:s29] =	ssyncadd.s32 $0xFFFFFFFF  }
0xb4: {  	_ =	strace $0x90000048  }
0xb5: {  	_ =	sfence  }
0xb6: {  	s30 =	sld [smem:$0x0];
	_ =	sdelay $0x2  }
0xb7: {  	s31 =	sshll.u32 s1, $0xD;
	s1 =	sshrl.u32 s1, $0x2  }
0xb8: {  	s3 =	sand.u32 $0x4000, s31;
	s1 =	sadd.s32 s1, s30  }
0xb9: {  	s0 =	sor.u32 s3, s0;
	s1 =	sshll.u32 s1, $0x11  }
0xba: {  	s0 =	sor.u32 s1, s0  }
0xbb: {  	s0 =	sadd.s32 $0x8F2B, s0  }
0xbc: {  	[sflag:s0] =	ssyncadd.remote.s32 $0x1  }
0xbd: {  	_ =	sfence.sel $0xFFFF  }
0xbe: {  	[dreg:$0x0] =	wrdreg $0xFFFFFFFF;
	(pc) =	sbr.abs _section_cstart, $3  }
0xbf: {  	[dreg:$0x1] =	wrdreg $0xFFFFFFFF  }
0xc0: {  	_ =	task.clear_ibuf [dreg:s6], $0x2FFFF;
	_ =	strace $0x9FFFFFFF  }
0xc1: {  	(tm) =	ssettm $0x7FFFFFFF  }
tec
execute0_lowered:
.L_overlay_start_1:
0x0: {  	(tag) =	ssettag $0x1  }
0x1: {  	s0 =	rddreg [dreg:$0x0]  }
0x2: {  	s1 =	srdreg.scid;
	s2 =	stileid.u32  }
0x3: {  	s3 =	simm.s32 $0x0;
	s17 =	simm.s32 $0x200;
	s28 =	simm.s32 $0x10  }
0x4: {  	s29 =	simm.s32 $0x1A0;
	s30 =	simm.s32 $0xB400;
	s31 =	simm.s32 $0x2  }
0x5: {  	s18 =	simm.s32 $0xC400;
	s1 =	sand.u32 $0x1, s1;
	s2 =	sshll.u32 s2, $0x1  }
0x6: {  	s11 =	simm.s32 $0x8;
	s12 =	simm.s32 $0x0;
	s2 =	sor.u32 s1, s2  }
0x7: {  	[smem:$0x7FF] =	sst s3;
	s3 =	sadd.s32 $0xC00, s0;
	s4 =	sshll.u32 s2, $0x6  }
0x8: {  	s1 =	ssub.s32 $0x2, s1;
	s6 =	sadd.s32 s4, s0;
	s4 =	smul.u32 $0x1A000, s2  }
0x9: {  	s5 =	sadd.s32 $0x14400, s0;
	s20 =	sshrl.u32 s1, $0x1;
	s2 =	smul.u32 $0x1A00, s2  }
0xa: {  	_ =	strace $0x80000047;
	s0 =	ssub.s32 s1, s20;
	s21 =	sadd.s32 $0x7400, s6  }
0xb: {  	s0 =	smax.u32 s0, $0x1;
	[dreg:$0x2] =	wrdreg s21;
	s22 =	sadd.s32 s2, s5  }
0xc: {  	s20 =	simm.s32 $0x3400;
	[dreg:$0x9] =	wrdreg s0;
	s2 =	sadd.s32 $0x28, s22  }
0xd: {  	s6 =	simm.s32 $0x6;
	s23 =	sadd.s32 $0x2A, s22;
	[dreg:$0x3] =	wrdreg s2  }
0xe: {  	s7 =	sor.u32 $0x20, s4;
	s24 =	sadd.s32 $0x2C, s22;
	[dreg:$0x4] =	wrdreg s23  }
0xf: {  	s8 =	sor.u32 $0x40, s4;
	s25 =	sadd.s32 $0x2E, s22;
	[dreg:$0x5] =	wrdreg s24  }
0x10: {  	s9 =	sor.u32 $0x60, s4;
	s26 =	sadd.s32 $0x30, s22;
	[dreg:$0x6] =	wrdreg s25  }
0x11: {  	s21 =	simm.s32 $0x5400;
	s1 =	sadd.s32 $0x32, s22;
	[dreg:$0x7] =	wrdreg s26  }
0x12: {  	s0 =	simm.s32 $0xBC00;
	s22 =	simm.s32 $0x4;
	[dreg:$0x8] =	wrdreg s1  }
0x13: {  	s23 =	simm.s32 $0x7400;
	s25 =	simm.s32 $0x9400;
	s26 =	simm.s32 $0x1  }
0x14: {  	s1 =	simm.s32 $0x3;
	s24 =	simm.s32 $0xCC00;
	s2 =	simm.s32 $0x5  }
.LBB2_1:
0x15: {  	s10 =	simm.s32 $0x0  }
0x16: {  	s13 =	rddreg [dreg:$0x2];
	s14 =	simm.s32 $0x4000;
	s15 =	simm.s32 $0x9  }
0x17: {  	[tilespmem:s10], [sflag:$0x9] =	stream.strided.gather [hbm4b:s13+s17], $0x3400, s14, s17, $0x38;
	[tilespmem:$0xD400] =	vst v63  }
0x18: {  	_ =	swait.ge [sflag:s15], $0x3400  }
0x19: {  	[sflag:s15] =	ssyncset.done $0x0  }
0x1a: {  	[sflag:s15] =	ssyncadd.s32 $0xFFFFCC00  }
0x1b: {  	[tilespmem:s20], [sflag:$0x1] =	stream.indirect.gather [hbm4b:s3+s17], $0x10, s10, s17, $0xb8;
	[tilespmem:$0xD400] =	vst v63  }
0x1c: {  	_ = 	snop  }
0x1d: {  	[tilespmem:s21], [sflag:$0x2] =	stream.indirect.gather [hbm4b:s3+s17], $0x10, s17, s17, $0xb8;
	[tilespmem:$0xD400] =	vst v63  }
0x1e: {  	s16 =	simm.s32 $0x400  }
0x1f: {  	[tilespmem:s23], [sflag:$0x3] =	stream.indirect.gather [hbm4b:s3+s17], $0x10, s16, s17, $0xb8;
	[tilespmem:$0xD400] =	vst v63  }
0x20: {  	s19 =	simm.s32 $0x600;
	s13 =	simm.s32 $0x0  }
0x21: {  	[tilespmem:s25], [sflag:$0x4] =	stream.indirect.gather [hbm4b:s3+s17], $0x10, s19, s17, $0xb8;
	[tilespmem:$0xD400] =	vst v63  }
.LBB2_2:
0x22: {  	_ =	swait.ge [sflag:s26], $0x2000  }
0x23: {  	p0 =	seq.s32 s13, $0x0;
	[sflag:s26] =	ssyncset.done $0x0  }
0x24: {  	s10 =	simm.s32 @!p0 $0x5;
	[sflag:s26] =	ssyncadd.s32 $0xFFFFE000  }
0x25: {  	_ =	swait.ge @!p0 [sflag:s10], $0x800  }
0x26: {  	[sflag:s10] =	ssyncset.done @!p0 $0x0  }
0x27: {  	s19 =	simm.s32 $0x4400;
	[sflag:s10] =	ssyncadd.s32 @!p0 $0xFFFFF800  }
0x28: {  	v1 =	vld [tilespmem:s19+$0xFFFFF030]  }
0x29: {  	v2 =	vld [tilespmem:s19+$0xFFFFF830]  }
0x2a: {  	v3 =	vld [tilespmem:s19+$0x30]  }
0x2b: {  	v4 =	vld [tilespmem:s19+$0x830]  }
0x2c: {  	v0 =	vld [tilespmem:s19+$0xFFFFF800]  }
0x2d: {  	v5 =	vld [tilespmem:s19+$0x0]  }
0x2e: {  	v6 =	vld [tilespmem:s19+$0x800]  }
0x2f: {  	v7 =	vld [tilespmem:s19+$0xFFFFF010]  }
0x30: {  	v8 =	vld [tilespmem:s19+$0xFFFFF810]  }
0x31: {  	v9 =	vld [tilespmem:s19+$0x10]  }
0x32: {  	v10 =	vld [tilespmem:s19+$0x810]  }
0x33: {  	v1 =	vadd.bf16 v2, v1;
	v3 =	vadd.bf16 v4, v3;
	v2 =	vld [tilespmem:s19+$0xFFFFF020]  }
0x34: {  	v4 =	vld [tilespmem:s19+$0xFFFFF820]  }
0x35: {  	v11 =	vadd.bf16 v3, v1;
	v3 =	vld [tilespmem:s19+$0x20]  }
0x36: {  	s15 =	simm.s32 $0xB420;
	v1 =	vadd.bf16 v6, v5;
	v5 =	vld [tilespmem:s19+$0x820]  }
0x37: {  	s14 =	simm.s32 $0x0;
	s16 =	simm.s32 $0x4440;
	v7 =	vadd.bf16 v8, v7;
	v8 =	vadd.bf16 v10, v9;
	v6 =	vld [tilespmem:s19+$0xFFFFF000];
	[tilespmem:s15+$0x10] =	vst v11  }
.LBB2_3:
0x38: {  	v9 =	vld [tilespmem:s16+$0xFFFFF030]  }
0x39: {  	v10 =	vld [tilespmem:s16+$0xFFFFF830];
	v7 =	vadd.bf16 v8, v7;
	v2 =	vadd.bf16 v4, v2  }
0x3a: {  	v4 =	vld [tilespmem:s16+$0x30]  }
0x3b: {  	s14 =	sadd.s32 $0x4, s14;
	v8 =	vld [tilespmem:s16+$0x830];
	[tilespmem:s15+$0xFFFFFFF0] =	vst v7;
	v3 =	vadd.bf16 v5, v3  }
0x3c: {  	p1 =	slt.u32 s14, $0x7C;
	v5 =	vadd.bf16 v0, v6;
	v0 =	vld [tilespmem:s16+$0xFFFFF800]  }
0x3d: {  	v6 =	vld [tilespmem:s16+$0x0];
	v2 =	vadd.bf16 v3, v2  }
0x3e: {  	v3 =	vld [tilespmem:s16+$0x800];
	v1 =	vadd.bf16 v1, v5  }
0x3f: {  	v5 =	vld [tilespmem:s16+$0xFFFFF010];
	[tilespmem:s15+$0x0] =	vst v2  }
0x40: {  	v2 =	vadd.bf16 v10, v9;
	v7 =	vld [tilespmem:s16+$0xFFFFF810];
	v4 =	vadd.bf16 v8, v4;
	[tilespmem:s15+$0xFFFFFFE0] =	vst v1  }
0x41: {  	v8 =	vld [tilespmem:s16+$0x10]  }
0x42: {  	v9 =	vld [tilespmem:s16+$0x810];
	v10 =	vadd.bf16 v4, v2  }
.Ltmp0:
0x43: {  	s15 =	sadd.s32 $0x40, s15;
	v1 =	vadd.bf16 v3, v6;
	v2 =	vld [tilespmem:s16+$0xFFFFF020];
	(pc) =	sbr.rel @p1 .LBB2_3-.Ltmp0, $4  }
0x44: {  	v4 =	vld [tilespmem:s16+$0xFFFFF820];
	[tilespmem:s15+$0x10] =	vst v10  }
0x45: {  	v7 =	vadd.bf16 v7, v5;
	v3 =	vld [tilespmem:s16+$0x20]  }
0x46: {  	v5 =	vld [tilespmem:s16+$0x820]  }
0x47: {  	v6 =	vld [tilespmem:s16+$0xFFFFF000];
	v8 =	vadd.bf16 v9, v8;
	s16 =	sadd.s32 $0x40, s16  }
0x48: {  	_ =	sdelay $0x2  }
0x49: {  	v2 =	vadd.bf16 v4, v2;
	v3 =	vadd.bf16 v5, v3  }
0x4a: {  	v4 =	vadd.bf16 v8, v7;
	v0 =	vadd.bf16 v0, v6  }
0x4b: {  	v2 =	vadd.bf16 v3, v2  }
0x4c: {  	s10 =	sshll.u32 s13, $0xB;
	[tilespmem:s15+$0xFFFFFFF0] =	vst v4;
	v0 =	vadd.bf16 v1, v0  }
0x4d: {  	s14 =	sand.u32 $0x3FFFF800, s10;
	[tilespmem:s15+$0x0] =	vst v2  }
0x4e: {  	s10 =	sadd.s32 $0x800, s14;
	[tilespmem:s15+$0xFFFFFFE0] =	vst v0;
	s15 =	sshll.u32 s13, $0x7  }
0x4f: {  	[tilespmem:s20], [sflag:$0x1] =	stream.indirect.gather [hbm4b:s3+s17], $0x10, s10, s17, $0xb8;
	[tilespmem:$0xD400] =	vst v63  }
0x50: {  	s19 =	sor.u32 s4, s15  }
0x51: {  	s10 =	sshrl.u32 s19, $0x4  }
0x52: {  	s10 =	sadd.s32 s5, s10  }
0x53: {  	[hbm4b:s10+s28] =	stream.strided.scatter [tilespmem:s30], [sflag:$0x5], $0x800, s29, s28, $0x38;
	[tilespmem:$0xD400] =	vst v63  }
0x54: {  	_ =	swait.ge [sflag:s31], $0x2000  }
0x55: {  	[sflag:s31] =	ssyncset.done $0x0  }
0x56: {  	s10 =	simm.s32 @!p0 $0x6;
	[sflag:s31] =	ssyncadd.s32 $0xFFFFE000  }
0x57: {  	_ =	swait.ge @!p0 [sflag:s10], $0x800  }
0x58: {  	[sflag:s10] =	ssyncset.done @!p0 $0x0  }
0x59: {  	[sflag:s10] =	ssyncadd.s32 @!p0 $0xFFFFF800;
	s10 =	simm.s32 $0x6400  }
0x5a: {  	v1 =	vld [tilespmem:s10+$0xFFFFF030]  }
0x5b: {  	v2 =	vld [tilespmem:s10+$0xFFFFF830]  }
0x5c: {  	v3 =	vld [tilespmem:s10+$0x30]  }
0x5d: {  	v4 =	vld [tilespmem:s10+$0x830]  }
0x5e: {  	v0 =	vld [tilespmem:s10+$0xFFFFF800]  }
0x5f: {  	v5 =	vld [tilespmem:s10+$0x0]  }
0x60: {  	v6 =	vld [tilespmem:s10+$0x800]  }
0x61: {  	v7 =	vld [tilespmem:s10+$0xFFFFF010]  }
0x62: {  	v8 =	vld [tilespmem:s10+$0xFFFFF810]  }
0x63: {  	v9 =	vld [tilespmem:s10+$0x10]  }
0x64: {  	v10 =	vld [tilespmem:s10+$0x810]  }
0x65: {  	v1 =	vadd.bf16 v2, v1;
	v3 =	vadd.bf16 v4, v3;
	v2 =	vld [tilespmem:s10+$0xFFFFF020]  }
0x66: {  	v4 =	vld [tilespmem:s10+$0xFFFFF820]  }
0x67: {  	v11 =	vadd.bf16 v3, v1;
	v3 =	vld [tilespmem:s10+$0x20]  }
0x68: {  	s16 =	simm.s32 $0xBC20;
	v1 =	vadd.bf16 v6, v5;
	v5 =	vld [tilespmem:s10+$0x820]  }
0x69: {  	s19 =	simm.s32 $0x0;
	v7 =	vadd.bf16 v8, v7;
	v8 =	vadd.bf16 v10, v9;
	v6 =	vld [tilespmem:s10+$0xFFFFF000];
	s10 =	simm.s32 $0x6440;
	[tilespmem:s16+$0x10] =	vst v11  }
.LBB2_5:
0x6a: {  	v9 =	vld [tilespmem:s10+$0xFFFFF030]  }
0x6b: {  	v10 =	vld [tilespmem:s10+$0xFFFFF830];
	v7 =	vadd.bf16 v8, v7;
	v2 =	vadd.bf16 v4, v2  }
0x6c: {  	v4 =	vld [tilespmem:s10+$0x30]  }
0x6d: {  	s19 =	sadd.s32 $0x4, s19;
	v8 =	vld [tilespmem:s10+$0x830];
	[tilespmem:s16+$0xFFFFFFF0] =	vst v7;
	v3 =	vadd.bf16 v5, v3  }
0x6e: {  	p1 =	slt.u32 s19, $0x7C;
	v5 =	vadd.bf16 v0, v6;
	v0 =	vld [tilespmem:s10+$0xFFFFF800]  }
0x6f: {  	v6 =	vld [tilespmem:s10+$0x0];
	v2 =	vadd.bf16 v3, v2  }
0x70: {  	v3 =	vld [tilespmem:s10+$0x800];
	v1 =	vadd.bf16 v1, v5  }
0x71: {  	v5 =	vld [tilespmem:s10+$0xFFFFF010];
	[tilespmem:s16+$0x0] =	vst v2  }
0x72: {  	v2 =	vadd.bf16 v10, v9;
	v7 =	vld [tilespmem:s10+$0xFFFFF810];
	v4 =	vadd.bf16 v8, v4;
	[tilespmem:s16+$0xFFFFFFE0] =	vst v1  }
0x73: {  	v8 =	vld [tilespmem:s10+$0x10]  }
0x74: {  	v9 =	vld [tilespmem:s10+$0x810];
	v10 =	vadd.bf16 v4, v2  }
.Ltmp1:
0x75: {  	s16 =	sadd.s32 $0x40, s16;
	v1 =	vadd.bf16 v3, v6;
	v2 =	vld [tilespmem:s10+$0xFFFFF020];
	(pc) =	sbr.rel @p1 .LBB2_5-.Ltmp1, $4  }
0x76: {  	v4 =	vld [tilespmem:s10+$0xFFFFF820];
	[tilespmem:s16+$0x10] =	vst v10  }
0x77: {  	v7 =	vadd.bf16 v7, v5;
	v3 =	vld [tilespmem:s10+$0x20]  }
0x78: {  	v5 =	vld [tilespmem:s10+$0x820]  }
0x79: {  	v6 =	vld [tilespmem:s10+$0xFFFFF000];
	v8 =	vadd.bf16 v9, v8;
	s10 =	sadd.s32 $0x40, s10  }
0x7a: {  	_ =	sdelay $0x2  }
0x7b: {  	v2 =	vadd.bf16 v4, v2;
	v3 =	vadd.bf16 v5, v3  }
0x7c: {  	v4 =	vadd.bf16 v8, v7;
	v0 =	vadd.bf16 v0, v6  }
0x7d: {  	v2 =	vadd.bf16 v3, v2  }
0x7e: {  	[tilespmem:s16+$0xFFFFFFF0] =	vst v4;
	v0 =	vadd.bf16 v1, v0  }
0x7f: {  	[tilespmem:s16+$0x0] =	vst v2  }
0x80: {  	s10 =	sadd.s32 $0xA00, s14;
	s19 =	sor.u32 s7, s15;
	[tilespmem:s16+$0xFFFFFFE0] =	vst v0  }
0x81: {  	[tilespmem:s21], [sflag:$0x2] =	stream.indirect.gather [hbm4b:s3+s17], $0x10, s10, s17, $0xb8;
	[tilespmem:$0xD400] =	vst v63  }
0x82: {  	s10 =	sshrl.u32 s19, $0x4  }
0x83: {  	s10 =	sadd.s32 s5, s10  }
0x84: {  	[hbm4b:s10+s28] =	stream.strided.scatter [tilespmem:s0], [sflag:$0x6], $0x800, s29, s28, $0x38;
	[tilespmem:$0xD400] =	vst v63  }
0x85: {  	_ =	swait.ge [sflag:s1], $0x2000  }
0x86: {  	[sflag:s1] =	ssyncset.done $0x0  }
0x87: {  	s10 =	simm.s32 @!p0 $0x7;
	[sflag:s1] =	ssyncadd.s32 $0xFFFFE000  }
0x88: {  	_ =	swait.ge @!p0 [sflag:s10], $0x800  }
0x89: {  	[sflag:s10] =	ssyncset.done @!p0 $0x0  }
0x8a: {  	[sflag:s10] =	ssyncadd.s32 @!p0 $0xFFFFF800;
	s10 =	simm.s32 $0x8400  }
0x8b: {  	v1 =	vld [tilespmem:s10+$0xFFFFF030]  }
0x8c: {  	v2 =	vld [tilespmem:s10+$0xFFFFF830]  }
0x8d: {  	v3 =	vld [tilespmem:s10+$0x30]  }
0x8e: {  	v4 =	vld [tilespmem:s10+$0x830]  }
0x8f: {  	v0 =	vld [tilespmem:s10+$0xFFFFF800]  }
0x90: {  	v5 =	vld [tilespmem:s10+$0x0]  }
0x91: {  	v6 =	vld [tilespmem:s10+$0x800]  }
0x92: {  	v7 =	vld [tilespmem:s10+$0xFFFFF010]  }
0x93: {  	v8 =	vld [tilespmem:s10+$0xFFFFF810]  }
0x94: {  	v9 =	vld [tilespmem:s10+$0x10]  }
0x95: {  	v10 =	vld [tilespmem:s10+$0x810]  }
0x96: {  	v1 =	vadd.bf16 v2, v1;
	v3 =	vadd.bf16 v4, v3;
	v2 =	vld [tilespmem:s10+$0xFFFFF020]  }
0x97: {  	v4 =	vld [tilespmem:s10+$0xFFFFF820]  }
0x98: {  	v11 =	vadd.bf16 v3, v1;
	v3 =	vld [tilespmem:s10+$0x20]  }
0x99: {  	s16 =	simm.s32 $0xC420;
	v1 =	vadd.bf16 v6, v5;
	v5 =	vld [tilespmem:s10+$0x820]  }
0x9a: {  	s19 =	simm.s32 $0x0;
	v7 =	vadd.bf16 v8, v7;
	v8 =	vadd.bf16 v10, v9;
	v6 =	vld [tilespmem:s10+$0xFFFFF000];
	s10 =	simm.s32 $0x8440;
	[tilespmem:s16+$0x10] =	vst v11  }
.LBB2_7:
0x9b: {  	v9 =	vld [tilespmem:s10+$0xFFFFF030]  }
0x9c: {  	v10 =	vld [tilespmem:s10+$0xFFFFF830];
	v7 =	vadd.bf16 v8, v7;
	v2 =	vadd.bf16 v4, v2  }
0x9d: {  	v4 =	vld [tilespmem:s10+$0x30]  }
0x9e: {  	s19 =	sadd.s32 $0x4, s19;
	v8 =	vld [tilespmem:s10+$0x830];
	[tilespmem:s16+$0xFFFFFFF0] =	vst v7;
	v3 =	vadd.bf16 v5, v3  }
0x9f: {  	p1 =	slt.u32 s19, $0x7C;
	v5 =	vadd.bf16 v0, v6;
	v0 =	vld [tilespmem:s10+$0xFFFFF800]  }
0xa0: {  	v6 =	vld [tilespmem:s10+$0x0];
	v2 =	vadd.bf16 v3, v2  }
0xa1: {  	v3 =	vld [tilespmem:s10+$0x800];
	v1 =	vadd.bf16 v1, v5  }
0xa2: {  	v5 =	vld [tilespmem:s10+$0xFFFFF010];
	[tilespmem:s16+$0x0] =	vst v2  }
0xa3: {  	v2 =	vadd.bf16 v10, v9;
	v7 =	vld [tilespmem:s10+$0xFFFFF810];
	v4 =	vadd.bf16 v8, v4;
	[tilespmem:s16+$0xFFFFFFE0] =	vst v1  }
0xa4: {  	v8 =	vld [tilespmem:s10+$0x10]  }
0xa5: {  	v9 =	vld [tilespmem:s10+$0x810];
	v10 =	vadd.bf16 v4, v2  }
.Ltmp2:
0xa6: {  	s16 =	sadd.s32 $0x40, s16;
	v1 =	vadd.bf16 v3, v6;
	v2 =	vld [tilespmem:s10+$0xFFFFF020];
	(pc) =	sbr.rel @p1 .LBB2_7-.Ltmp2, $4  }
0xa7: {  	v4 =	vld [tilespmem:s10+$0xFFFFF820];
	[tilespmem:s16+$0x10] =	vst v10  }
0xa8: {  	v7 =	vadd.bf16 v7, v5;
	v3 =	vld [tilespmem:s10+$0x20]  }
0xa9: {  	v5 =	vld [tilespmem:s10+$0x820]  }
0xaa: {  	v6 =	vld [tilespmem:s10+$0xFFFFF000];
	v8 =	vadd.bf16 v9, v8;
	s10 =	sadd.s32 $0x40, s10  }
0xab: {  	_ =	sdelay $0x2  }
0xac: {  	v2 =	vadd.bf16 v4, v2;
	v3 =	vadd.bf16 v5, v3  }
0xad: {  	v4 =	vadd.bf16 v8, v7;
	v0 =	vadd.bf16 v0, v6  }
0xae: {  	v2 =	vadd.bf16 v3, v2  }
0xaf: {  	[tilespmem:s16+$0xFFFFFFF0] =	vst v4;
	v0 =	vadd.bf16 v1, v0  }
0xb0: {  	[tilespmem:s16+$0x0] =	vst v2  }
0xb1: {  	s10 =	sadd.s32 $0xC00, s14;
	s19 =	sor.u32 s8, s15;
	[tilespmem:s16+$0xFFFFFFE0] =	vst v0  }
0xb2: {  	[tilespmem:s23], [sflag:$0x3] =	stream.indirect.gather [hbm4b:s3+s17], $0x10, s10, s17, $0xb8;
	[tilespmem:$0xD400] =	vst v63  }
0xb3: {  	s10 =	sshrl.u32 s19, $0x4  }
0xb4: {  	s10 =	sadd.s32 s5, s10  }
0xb5: {  	[hbm4b:s10+s28] =	stream.strided.scatter [tilespmem:s18], [sflag:$0x7], $0x800, s29, s28, $0x38;
	[tilespmem:$0xD400] =	vst v63  }
0xb6: {  	_ =	swait.ge [sflag:s22], $0x2000  }
0xb7: {  	[sflag:s22] =	ssyncset.done $0x0  }
0xb8: {  	s10 =	simm.s32 @!p0 $0x8;
	[sflag:s22] =	ssyncadd.s32 $0xFFFFE000  }
0xb9: {  	_ =	swait.ge @!p0 [sflag:s10], $0x800  }
0xba: {  	[sflag:s10] =	ssyncset.done @!p0 $0x0  }
0xbb: {  	[sflag:s10] =	ssyncadd.s32 @!p0 $0xFFFFF800;
	s10 =	simm.s32 $0xA400  }
0xbc: {  	v1 =	vld [tilespmem:s10+$0xFFFFF030]  }
0xbd: {  	v2 =	vld [tilespmem:s10+$0xFFFFF830]  }
0xbe: {  	v3 =	vld [tilespmem:s10+$0x30]  }
0xbf: {  	v4 =	vld [tilespmem:s10+$0x830]  }
0xc0: {  	v0 =	vld [tilespmem:s10+$0xFFFFF800]  }
0xc1: {  	v5 =	vld [tilespmem:s10+$0x0]  }
0xc2: {  	v6 =	vld [tilespmem:s10+$0x800]  }
0xc3: {  	v7 =	vld [tilespmem:s10+$0xFFFFF010]  }
0xc4: {  	v8 =	vld [tilespmem:s10+$0xFFFFF810]  }
0xc5: {  	v9 =	vld [tilespmem:s10+$0x10]  }
0xc6: {  	v10 =	vld [tilespmem:s10+$0x810]  }
0xc7: {  	v1 =	vadd.bf16 v2, v1;
	v3 =	vadd.bf16 v4, v3;
	v2 =	vld [tilespmem:s10+$0xFFFFF020]  }
0xc8: {  	v4 =	vld [tilespmem:s10+$0xFFFFF820]  }
0xc9: {  	v11 =	vadd.bf16 v3, v1;
	v3 =	vld [tilespmem:s10+$0x20]  }
0xca: {  	s16 =	simm.s32 $0xCC20;
	v1 =	vadd.bf16 v6, v5;
	v5 =	vld [tilespmem:s10+$0x820]  }
0xcb: {  	s19 =	simm.s32 $0x0;
	v7 =	vadd.bf16 v8, v7;
	v8 =	vadd.bf16 v10, v9;
	v6 =	vld [tilespmem:s10+$0xFFFFF000];
	s10 =	simm.s32 $0xA440;
	[tilespmem:s16+$0x10] =	vst v11  }
.LBB2_9:
0xcc: {  	v9 =	vld [tilespmem:s10+$0xFFFFF030]  }
0xcd: {  	v10 =	vld [tilespmem:s10+$0xFFFFF830];
	v7 =	vadd.bf16 v8, v7;
	v2 =	vadd.bf16 v4, v2  }
0xce: {  	v4 =	vld [tilespmem:s10+$0x30]  }
0xcf: {  	s19 =	sadd.s32 $0x4, s19;
	v8 =	vld [tilespmem:s10+$0x830];
	[tilespmem:s16+$0xFFFFFFF0] =	vst v7;
	v3 =	vadd.bf16 v5, v3  }
0xd0: {  	p0 =	slt.u32 s19, $0x7C;
	v5 =	vadd.bf16 v0, v6;
	v0 =	vld [tilespmem:s10+$0xFFFFF800]  }
0xd1: {  	v6 =	vld [tilespmem:s10+$0x0];
	v2 =	vadd.bf16 v3, v2  }
0xd2: {  	v3 =	vld [tilespmem:s10+$0x800];
	v1 =	vadd.bf16 v1, v5  }
0xd3: {  	v5 =	vld [tilespmem:s10+$0xFFFFF010];
	[tilespmem:s16+$0x0] =	vst v2  }
0xd4: {  	v2 =	vadd.bf16 v10, v9;
	v7 =	vld [tilespmem:s10+$0xFFFFF810];
	v4 =	vadd.bf16 v8, v4;
	[tilespmem:s16+$0xFFFFFFE0] =	vst v1  }
0xd5: {  	v8 =	vld [tilespmem:s10+$0x10]  }
0xd6: {  	v9 =	vld [tilespmem:s10+$0x810];
	v10 =	vadd.bf16 v4, v2  }
.Ltmp3:
0xd7: {  	s16 =	sadd.s32 $0x40, s16;
	v1 =	vadd.bf16 v3, v6;
	v2 =	vld [tilespmem:s10+$0xFFFFF020];
	(pc) =	sbr.rel @p0 .LBB2_9-.Ltmp3, $4  }
0xd8: {  	v4 =	vld [tilespmem:s10+$0xFFFFF820];
	[tilespmem:s16+$0x10] =	vst v10  }
0xd9: {  	v7 =	vadd.bf16 v7, v5;
	v3 =	vld [tilespmem:s10+$0x20]  }
0xda: {  	v5 =	vld [tilespmem:s10+$0x820]  }
0xdb: {  	v6 =	vld [tilespmem:s10+$0xFFFFF000];
	v8 =	vadd.bf16 v9, v8;
	s10 =	sadd.s32 $0x40, s10  }
0xdc: {  	_ =	sdelay $0x2  }
0xdd: {  	v2 =	vadd.bf16 v4, v2;
	v3 =	vadd.bf16 v5, v3  }
0xde: {  	v63 =	vadd.bf16 v8, v7;
	v0 =	vadd.bf16 v0, v6  }
0xdf: {  	v2 =	vadd.bf16 v3, v2  }
0xe0: {  	s13 =	sadd.s32 $0x1, s13;
	[tilespmem:s16+$0xFFFFFFF0] =	vst v63;
	v0 =	vadd.bf16 v1, v0  }
0xe1: {  	p0 =	sne.s32 s13, $0x5;
	[tilespmem:s16+$0x0] =	vst v2  }
.Ltmp4:
0xe2: {  	s10 =	sadd.s32 $0xE00, s14;
	s19 =	sor.u32 s9, s15;
	[tilespmem:s16+$0xFFFFFFE0] =	vst v0;
	(pc) =	sbr.rel @p0 .LBB2_2-.Ltmp4, $4  }
0xe3: {  	[tilespmem:s25], [sflag:$0x4] =	stream.indirect.gather [hbm4b:s3+s17], $0x10, s10, s17, $0xb8;
	[tilespmem:$0xD400] =	vst v63  }
0xe4: {  	s10 =	sshrl.u32 s19, $0x4  }
0xe5: {  	s10 =	sadd.s32 s5, s10  }
0xe6: {  	[hbm4b:s10+s28] =	stream.strided.scatter [tilespmem:s24], [sflag:$0x8], $0x800, s29, s28, $0x38;
	[tilespmem:$0xD400] =	vst v63  }
0xe7: {  	_ =	swait.ge [sflag:s26], $0x2000  }
0xe8: {  	[sflag:s26] =	ssyncset.done $0x0  }
0xe9: {  	[sflag:s26] =	ssyncadd.s32 $0xFFFFE000  }
0xea: {  	_ =	swait.ge [sflag:s2], $0x800  }
0xeb: {  	[sflag:s2] =	ssyncset.done $0x0  }
0xec: {  	s10 =	simm.s32 $0x4400;
	[sflag:s2] =	ssyncadd.s32 $0xFFFFF800  }
0xed: {  	v1 =	vld [tilespmem:s10+$0xFFFFF030]  }
0xee: {  	v2 =	vld [tilespmem:s10+$0xFFFFF830]  }
0xef: {  	v3 =	vld [tilespmem:s10+$0x30]  }
0xf0: {  	v4 =	vld [tilespmem:s10+$0x830]  }
0xf1: {  	v0 =	vld [tilespmem:s10+$0xFFFFF800]  }
0xf2: {  	v5 =	vld [tilespmem:s10+$0x0]  }
0xf3: {  	v6 =	vld [tilespmem:s10+$0x800]  }
0xf4: {  	v7 =	vld [tilespmem:s10+$0xFFFFF010]  }
0xf5: {  	v8 =	vld [tilespmem:s10+$0xFFFFF810]  }
0xf6: {  	v9 =	vld [tilespmem:s10+$0x10]  }
0xf7: {  	v10 =	vld [tilespmem:s10+$0x810]  }
0xf8: {  	v1 =	vadd.bf16 v2, v1;
	v3 =	vadd.bf16 v4, v3;
	v2 =	vld [tilespmem:s10+$0xFFFFF020]  }
0xf9: {  	v4 =	vld [tilespmem:s10+$0xFFFFF820]  }
0xfa: {  	v11 =	vadd.bf16 v3, v1;
	v3 =	vld [tilespmem:s10+$0x20]  }
0xfb: {  	s13 =	simm.s32 $0xB420;
	v1 =	vadd.bf16 v6, v5;
	v5 =	vld [tilespmem:s10+$0x820]  }
0xfc: {  	s14 =	simm.s32 $0x0;
	v7 =	vadd.bf16 v8, v7;
	v8 =	vadd.bf16 v10, v9;
	v6 =	vld [tilespmem:s10+$0xFFFFF000];
	s10 =	simm.s32 $0x4440;
	[tilespmem:s13+$0x10] =	vst v11  }
.LBB2_12:
0xfd: {  	v9 =	vld [tilespmem:s10+$0xFFFFF030]  }
0xfe: {  	v10 =	vld [tilespmem:s10+$0xFFFFF830];
	v7 =	vadd.bf16 v8, v7;
	v2 =	vadd.bf16 v4, v2  }
0xff: {  	v4 =	vld [tilespmem:s10+$0x30]  }
0x100: {  	s14 =	sadd.s32 $0x4, s14;
	v8 =	vld [tilespmem:s10+$0x830];
	[tilespmem:s13+$0xFFFFFFF0] =	vst v7;
	v3 =	vadd.bf16 v5, v3  }
0x101: {  	p0 =	slt.u32 s14, $0x7C;
	v5 =	vadd.bf16 v0, v6;
	v0 =	vld [tilespmem:s10+$0xFFFFF800]  }
0x102: {  	v6 =	vld [tilespmem:s10+$0x0];
	v2 =	vadd.bf16 v3, v2  }
0x103: {  	v3 =	vld [tilespmem:s10+$0x800];
	v1 =	vadd.bf16 v1, v5  }
0x104: {  	v5 =	vld [tilespmem:s10+$0xFFFFF010];
	[tilespmem:s13+$0x0] =	vst v2  }
0x105: {  	v2 =	vadd.bf16 v10, v9;
	v7 =	vld [tilespmem:s10+$0xFFFFF810];
	v4 =	vadd.bf16 v8, v4;
	[tilespmem:s13+$0xFFFFFFE0] =	vst v1  }
0x106: {  	v8 =	vld [tilespmem:s10+$0x10]  }
0x107: {  	v9 =	vld [tilespmem:s10+$0x810];
	v10 =	vadd.bf16 v4, v2  }
.Ltmp5:
0x108: {  	s13 =	sadd.s32 $0x40, s13;
	v1 =	vadd.bf16 v3, v6;
	v2 =	vld [tilespmem:s10+$0xFFFFF020];
	(pc) =	sbr.rel @p0 .LBB2_12-.Ltmp5, $4  }
0x109: {  	v4 =	vld [tilespmem:s10+$0xFFFFF820];
	[tilespmem:s13+$0x10] =	vst v10  }
0x10a: {  	v7 =	vadd.bf16 v7, v5;
	v3 =	vld [tilespmem:s10+$0x20]  }
0x10b: {  	v5 =	vld [tilespmem:s10+$0x820]  }
0x10c: {  	v6 =	vld [tilespmem:s10+$0xFFFFF000];
	v8 =	vadd.bf16 v9, v8;
	s10 =	sadd.s32 $0x40, s10  }
0x10d: {  	_ =	sdelay $0x2  }
0x10e: {  	v2 =	vadd.bf16 v4, v2;
	v3 =	vadd.bf16 v5, v3  }
0x10f: {  	v4 =	vadd.bf16 v8, v7;
	v0 =	vadd.bf16 v0, v6  }
0x110: {  	v2 =	vadd.bf16 v3, v2  }
0x111: {  	[tilespmem:s13+$0xFFFFFFF0] =	vst v4;
	v0 =	vadd.bf16 v1, v0  }
0x112: {  	[tilespmem:s13+$0x0] =	vst v2  }
0x113: {  	s10 =	simm.s32 $0x3000;
	[tilespmem:s13+$0xFFFFFFE0] =	vst v0  }
0x114: {  	[tilespmem:s20], [sflag:$0x1] =	stream.indirect.gather [hbm4b:s3+s17], $0x10, s10, s17, $0xb8;
	[tilespmem:$0xD400] =	vst v63  }
0x115: {  	s16 =	rddreg [dreg:$0x3]  }
0x116: {  	[hbm4b:s16+s28] =	stream.strided.scatter [tilespmem:s30], [sflag:$0x5], $0x800, s29, s28, $0x38;
	[tilespmem:$0xD400] =	vst v63  }
0x117: {  	_ =	swait.ge [sflag:s31], $0x2000  }
0x118: {  	[sflag:s31] =	ssyncset.done $0x0  }
0x119: {  	[sflag:s31] =	ssyncadd.s32 $0xFFFFE000  }
0x11a: {  	_ =	swait.ge [sflag:s6], $0x800  }
0x11b: {  	[sflag:s6] =	ssyncset.done $0x0  }
0x11c: {  	s19 =	simm.s32 $0x6400;
	[sflag:s6] =	ssyncadd.s32 $0xFFFFF800  }
0x11d: {  	v1 =	vld [tilespmem:s19+$0xFFFFF030]  }
0x11e: {  	v2 =	vld [tilespmem:s19+$0xFFFFF830]  }
0x11f: {  	v3 =	vld [tilespmem:s19+$0x30]  }
0x120: {  	v4 =	vld [tilespmem:s19+$0x830]  }
0x121: {  	v0 =	vld [tilespmem:s19+$0xFFFFF800]  }
0x122: {  	v5 =	vld [tilespmem:s19+$0x0]  }
0x123: {  	v6 =	vld [tilespmem:s19+$0x800]  }
0x124: {  	v7 =	vld [tilespmem:s19+$0xFFFFF010]  }
0x125: {  	v8 =	vld [tilespmem:s19+$0xFFFFF810]  }
0x126: {  	v9 =	vld [tilespmem:s19+$0x10]  }
0x127: {  	v10 =	vld [tilespmem:s19+$0x810]  }
0x128: {  	v1 =	vadd.bf16 v2, v1;
	v3 =	vadd.bf16 v4, v3;
	v2 =	vld [tilespmem:s19+$0xFFFFF020]  }
0x129: {  	v4 =	vld [tilespmem:s19+$0xFFFFF820]  }
0x12a: {  	v11 =	vadd.bf16 v3, v1;
	v3 =	vld [tilespmem:s19+$0x20]  }
0x12b: {  	s13 =	simm.s32 $0xBC20;
	v1 =	vadd.bf16 v6, v5;
	v5 =	vld [tilespmem:s19+$0x820]  }
0x12c: {  	s14 =	simm.s32 $0x0;
	s15 =	simm.s32 $0x7;
	s10 =	simm.s32 $0x6440;
	v7 =	vadd.bf16 v8, v7;
	v8 =	vadd.bf16 v10, v9;
	v6 =	vld [tilespmem:s19+$0xFFFFF000];
	[tilespmem:s13+$0x10] =	vst v11  }
.LBB2_14:
0x12d: {  	v9 =	vld [tilespmem:s10+$0xFFFFF030]  }
0x12e: {  	v10 =	vld [tilespmem:s10+$0xFFFFF830];
	v7 =	vadd.bf16 v8, v7;
	v2 =	vadd.bf16 v4, v2  }
0x12f: {  	v4 =	vld [tilespmem:s10+$0x30]  }
0x130: {  	s14 =	sadd.s32 $0x4, s14;
	v8 =	vld [tilespmem:s10+$0x830];
	[tilespmem:s13+$0xFFFFFFF0] =	vst v7;
	v3 =	vadd.bf16 v5, v3  }
0x131: {  	p0 =	slt.u32 s14, $0x7C;
	v5 =	vadd.bf16 v0, v6;
	v0 =	vld [tilespmem:s10+$0xFFFFF800]  }
0x132: {  	v6 =	vld [tilespmem:s10+$0x0];
	v2 =	vadd.bf16 v3, v2  }
0x133: {  	v3 =	vld [tilespmem:s10+$0x800];
	v1 =	vadd.bf16 v1, v5  }
0x134: {  	v5 =	vld [tilespmem:s10+$0xFFFFF010];
	[tilespmem:s13+$0x0] =	vst v2  }
0x135: {  	v2 =	vadd.bf16 v10, v9;
	v7 =	vld [tilespmem:s10+$0xFFFFF810];
	v4 =	vadd.bf16 v8, v4;
	[tilespmem:s13+$0xFFFFFFE0] =	vst v1  }
0x136: {  	v8 =	vld [tilespmem:s10+$0x10]  }
0x137: {  	v9 =	vld [tilespmem:s10+$0x810];
	v10 =	vadd.bf16 v4, v2  }
.Ltmp6:
0x138: {  	s13 =	sadd.s32 $0x40, s13;
	v1 =	vadd.bf16 v3, v6;
	v2 =	vld [tilespmem:s10+$0xFFFFF020];
	(pc) =	sbr.rel @p0 .LBB2_14-.Ltmp6, $4  }
0x139: {  	v4 =	vld [tilespmem:s10+$0xFFFFF820];
	[tilespmem:s13+$0x10] =	vst v10  }
0x13a: {  	v7 =	vadd.bf16 v7, v5;
	v3 =	vld [tilespmem:s10+$0x20]  }
0x13b: {  	v5 =	vld [tilespmem:s10+$0x820]  }
0x13c: {  	v6 =	vld [tilespmem:s10+$0xFFFFF000];
	v8 =	vadd.bf16 v9, v8;
	s10 =	sadd.s32 $0x40, s10  }
0x13d: {  	_ =	sdelay $0x2  }
0x13e: {  	v2 =	vadd.bf16 v4, v2;
	v3 =	vadd.bf16 v5, v3  }
0x13f: {  	v4 =	vadd.bf16 v8, v7;
	v0 =	vadd.bf16 v0, v6  }
0x140: {  	v2 =	vadd.bf16 v3, v2  }
0x141: {  	[tilespmem:s13+$0xFFFFFFF0] =	vst v4;
	v0 =	vadd.bf16 v1, v0  }
0x142: {  	[tilespmem:s13+$0x0] =	vst v2  }
0x143: {  	s10 =	simm.s32 $0x3200;
	[tilespmem:s13+$0xFFFFFFE0] =	vst v0  }
0x144: {  	[tilespmem:s21], [sflag:$0x2] =	stream.indirect.gather [hbm4b:s3+s17], $0x10, s10, s17, $0xb8;
	[tilespmem:$0xD400] =	vst v63  }
0x145: {  	s16 =	rddreg [dreg:$0x4]  }
0x146: {  	[hbm4b:s16+s28] =	stream.strided.scatter [tilespmem:s0], [sflag:$0x6], $0x800, s29, s28, $0x38;
	[tilespmem:$0xD400] =	vst v63  }
0x147: {  	_ =	swait.ge [sflag:s1], $0x2000  }
0x148: {  	[sflag:s1] =	ssyncset.done $0x0  }
0x149: {  	[sflag:s1] =	ssyncadd.s32 $0xFFFFE000  }
0x14a: {  	_ =	swait.ge [sflag:s15], $0x800  }
0x14b: {  	[sflag:s15] =	ssyncset.done $0x0  }
0x14c: {  	s19 =	simm.s32 $0x8400;
	[sflag:s15] =	ssyncadd.s32 $0xFFFFF800  }
0x14d: {  	v1 =	vld [tilespmem:s19+$0xFFFFF030]  }
0x14e: {  	v2 =	vld [tilespmem:s19+$0xFFFFF830]  }
0x14f: {  	v3 =	vld [tilespmem:s19+$0x30]  }
0x150: {  	v4 =	vld [tilespmem:s19+$0x830]  }
0x151: {  	v0 =	vld [tilespmem:s19+$0xFFFFF800]  }
0x152: {  	v5 =	vld [tilespmem:s19+$0x0]  }
0x153: {  	v6 =	vld [tilespmem:s19+$0x800]  }
0x154: {  	v7 =	vld [tilespmem:s19+$0xFFFFF010]  }
0x155: {  	v8 =	vld [tilespmem:s19+$0xFFFFF810]  }
0x156: {  	v9 =	vld [tilespmem:s19+$0x10]  }
0x157: {  	v10 =	vld [tilespmem:s19+$0x810]  }
0x158: {  	v1 =	vadd.bf16 v2, v1;
	v3 =	vadd.bf16 v4, v3;
	v2 =	vld [tilespmem:s19+$0xFFFFF020]  }
0x159: {  	v4 =	vld [tilespmem:s19+$0xFFFFF820]  }
0x15a: {  	v11 =	vadd.bf16 v3, v1;
	v3 =	vld [tilespmem:s19+$0x20]  }
0x15b: {  	s13 =	simm.s32 $0xC420;
	v1 =	vadd.bf16 v6, v5;
	v5 =	vld [tilespmem:s19+$0x820]  }
0x15c: {  	s14 =	simm.s32 $0x0;
	s10 =	simm.s32 $0x8440;
	v7 =	vadd.bf16 v8, v7;
	v8 =	vadd.bf16 v10, v9;
	v6 =	vld [tilespmem:s19+$0xFFFFF000];
	[tilespmem:s13+$0x10] =	vst v11  }
.LBB2_16:
0x15d: {  	v9 =	vld [tilespmem:s10+$0xFFFFF030]  }
0x15e: {  	v10 =	vld [tilespmem:s10+$0xFFFFF830];
	v7 =	vadd.bf16 v8, v7;
	v2 =	vadd.bf16 v4, v2  }
0x15f: {  	v4 =	vld [tilespmem:s10+$0x30]  }
0x160: {  	s14 =	sadd.s32 $0x4, s14;
	v8 =	vld [tilespmem:s10+$0x830];
	[tilespmem:s13+$0xFFFFFFF0] =	vst v7;
	v3 =	vadd.bf16 v5, v3  }
0x161: {  	p0 =	slt.u32 s14, $0x7C;
	v5 =	vadd.bf16 v0, v6;
	v0 =	vld [tilespmem:s10+$0xFFFFF800]  }
0x162: {  	v6 =	vld [tilespmem:s10+$0x0];
	v2 =	vadd.bf16 v3, v2  }
0x163: {  	v3 =	vld [tilespmem:s10+$0x800];
	v1 =	vadd.bf16 v1, v5  }
0x164: {  	v5 =	vld [tilespmem:s10+$0xFFFFF010];
	[tilespmem:s13+$0x0] =	vst v2  }
0x165: {  	v2 =	vadd.bf16 v10, v9;
	v7 =	vld [tilespmem:s10+$0xFFFFF810];
	v4 =	vadd.bf16 v8, v4;
	[tilespmem:s13+$0xFFFFFFE0] =	vst v1  }
0x166: {  	v8 =	vld [tilespmem:s10+$0x10]  }
0x167: {  	v9 =	vld [tilespmem:s10+$0x810];
	v10 =	vadd.bf16 v4, v2  }
.Ltmp7:
0x168: {  	s13 =	sadd.s32 $0x40, s13;
	v1 =	vadd.bf16 v3, v6;
	v2 =	vld [tilespmem:s10+$0xFFFFF020];
	(pc) =	sbr.rel @p0 .LBB2_16-.Ltmp7, $4  }
0x169: {  	v4 =	vld [tilespmem:s10+$0xFFFFF820];
	[tilespmem:s13+$0x10] =	vst v10  }
0x16a: {  	v7 =	vadd.bf16 v7, v5;
	v3 =	vld [tilespmem:s10+$0x20]  }
0x16b: {  	v5 =	vld [tilespmem:s10+$0x820]  }
0x16c: {  	v6 =	vld [tilespmem:s10+$0xFFFFF000];
	v8 =	vadd.bf16 v9, v8;
	s10 =	sadd.s32 $0x40, s10  }
0x16d: {  	_ =	sdelay $0x2  }
0x16e: {  	v2 =	vadd.bf16 v4, v2;
	v3 =	vadd.bf16 v5, v3  }
0x16f: {  	v4 =	vadd.bf16 v8, v7;
	v0 =	vadd.bf16 v0, v6  }
0x170: {  	v2 =	vadd.bf16 v3, v2  }
0x171: {  	[tilespmem:s13+$0xFFFFFFF0] =	vst v4;
	v0 =	vadd.bf16 v1, v0  }
0x172: {  	[tilespmem:s13+$0x0] =	vst v2  }
0x173: {  	[tilespmem:s13+$0xFFFFFFE0] =	vst v0  }
0x174: {  	s10 =	rddreg [dreg:$0x5]  }
0x175: {  	[hbm4b:s10+s28] =	stream.strided.scatter [tilespmem:s18], [sflag:$0x7], $0x800, s29, s28, $0x38;
	[tilespmem:$0xD400] =	vst v63  }
0x176: {  	_ =	swait.ge [sflag:s22], $0x2000  }
0x177: {  	[sflag:s22] =	ssyncset.done $0x0  }
0x178: {  	[sflag:s22] =	ssyncadd.s32 $0xFFFFE000  }
0x179: {  	_ =	swait.ge [sflag:s11], $0x800  }
0x17a: {  	[sflag:s11] =	ssyncset.done $0x0  }
0x17b: {  	s19 =	simm.s32 $0xA400;
	[sflag:s11] =	ssyncadd.s32 $0xFFFFF800  }
0x17c: {  	v1 =	vld [tilespmem:s19+$0xFFFFF030]  }
0x17d: {  	v2 =	vld [tilespmem:s19+$0xFFFFF830]  }
0x17e: {  	v3 =	vld [tilespmem:s19+$0x30]  }
0x17f: {  	v4 =	vld [tilespmem:s19+$0x830]  }
0x180: {  	v0 =	vld [tilespmem:s19+$0xFFFFF800]  }
0x181: {  	v5 =	vld [tilespmem:s19+$0x0]  }
0x182: {  	v6 =	vld [tilespmem:s19+$0x800]  }
0x183: {  	v7 =	vld [tilespmem:s19+$0xFFFFF010]  }
0x184: {  	v8 =	vld [tilespmem:s19+$0xFFFFF810]  }
0x185: {  	v9 =	vld [tilespmem:s19+$0x10]  }
0x186: {  	v10 =	vld [tilespmem:s19+$0x810]  }
0x187: {  	v1 =	vadd.bf16 v2, v1;
	v3 =	vadd.bf16 v4, v3;
	v2 =	vld [tilespmem:s19+$0xFFFFF020]  }
0x188: {  	v4 =	vld [tilespmem:s19+$0xFFFFF820]  }
0x189: {  	v11 =	vadd.bf16 v3, v1;
	v3 =	vld [tilespmem:s19+$0x20]  }
0x18a: {  	s13 =	simm.s32 $0xCC20;
	v1 =	vadd.bf16 v6, v5;
	v5 =	vld [tilespmem:s19+$0x820]  }
0x18b: {  	s14 =	simm.s32 $0x0;
	s10 =	simm.s32 $0xA440;
	v7 =	vadd.bf16 v8, v7;
	v8 =	vadd.bf16 v10, v9;
	v6 =	vld [tilespmem:s19+$0xFFFFF000];
	[tilespmem:s13+$0x10] =	vst v11  }
.LBB2_18:
0x18c: {  	v9 =	vld [tilespmem:s10+$0xFFFFF030]  }
0x18d: {  	v10 =	vld [tilespmem:s10+$0xFFFFF830];
	v7 =	vadd.bf16 v8, v7;
	v2 =	vadd.bf16 v4, v2  }
0x18e: {  	v4 =	vld [tilespmem:s10+$0x30]  }
0x18f: {  	s14 =	sadd.s32 $0x4, s14;
	v8 =	vld [tilespmem:s10+$0x830];
	[tilespmem:s13+$0xFFFFFFF0] =	vst v7;
	v3 =	vadd.bf16 v5, v3  }
0x190: {  	p0 =	slt.u32 s14, $0x7C;
	v5 =	vadd.bf16 v0, v6;
	v0 =	vld [tilespmem:s10+$0xFFFFF800]  }
0x191: {  	v6 =	vld [tilespmem:s10+$0x0];
	v2 =	vadd.bf16 v3, v2  }
0x192: {  	v3 =	vld [tilespmem:s10+$0x800];
	v1 =	vadd.bf16 v1, v5  }
0x193: {  	v5 =	vld [tilespmem:s10+$0xFFFFF010];
	[tilespmem:s13+$0x0] =	vst v2  }
0x194: {  	v2 =	vadd.bf16 v10, v9;
	v7 =	vld [tilespmem:s10+$0xFFFFF810];
	v4 =	vadd.bf16 v8, v4;
	[tilespmem:s13+$0xFFFFFFE0] =	vst v1  }
0x195: {  	v8 =	vld [tilespmem:s10+$0x10]  }
0x196: {  	v9 =	vld [tilespmem:s10+$0x810];
	v10 =	vadd.bf16 v4, v2  }
.Ltmp8:
0x197: {  	s13 =	sadd.s32 $0x40, s13;
	v1 =	vadd.bf16 v3, v6;
	v2 =	vld [tilespmem:s10+$0xFFFFF020];
	(pc) =	sbr.rel @p0 .LBB2_18-.Ltmp8, $4  }
0x198: {  	v4 =	vld [tilespmem:s10+$0xFFFFF820];
	[tilespmem:s13+$0x10] =	vst v10  }
0x199: {  	v7 =	vadd.bf16 v7, v5;
	v3 =	vld [tilespmem:s10+$0x20]  }
0x19a: {  	v5 =	vld [tilespmem:s10+$0x820]  }
0x19b: {  	v6 =	vld [tilespmem:s10+$0xFFFFF000];
	v8 =	vadd.bf16 v9, v8;
	s10 =	sadd.s32 $0x40, s10  }
0x19c: {  	_ =	sdelay $0x2  }
0x19d: {  	v2 =	vadd.bf16 v4, v2;
	v3 =	vadd.bf16 v5, v3  }
0x19e: {  	v4 =	vadd.bf16 v8, v7;
	v0 =	vadd.bf16 v0, v6  }
0x19f: {  	v2 =	vadd.bf16 v3, v2  }
0x1a0: {  	[tilespmem:s13+$0xFFFFFFF0] =	vst v4;
	v0 =	vadd.bf16 v1, v0  }
0x1a1: {  	[tilespmem:s13+$0x0] =	vst v2  }
0x1a2: {  	[tilespmem:s13+$0xFFFFFFE0] =	vst v0  }
0x1a3: {  	s10 =	rddreg [dreg:$0x6]  }
0x1a4: {  	[hbm4b:s10+s28] =	stream.strided.scatter [tilespmem:s24], [sflag:$0x8], $0x800, s29, s28, $0x38;
	[tilespmem:$0xD400] =	vst v63  }
0x1a5: {  	_ =	swait.ge [sflag:s26], $0x2000  }
0x1a6: {  	[sflag:s26] =	ssyncset.done $0x0  }
0x1a7: {  	[sflag:s26] =	ssyncadd.s32 $0xFFFFE000  }
0x1a8: {  	_ =	swait.ge [sflag:s2], $0x800  }
0x1a9: {  	[sflag:s2] =	ssyncset.done $0x0  }
0x1aa: {  	s19 =	simm.s32 $0x4400;
	[sflag:s2] =	ssyncadd.s32 $0xFFFFF800  }
0x1ab: {  	v1 =	vld [tilespmem:s19+$0xFFFFF030]  }
0x1ac: {  	v2 =	vld [tilespmem:s19+$0xFFFFF830]  }
0x1ad: {  	v3 =	vld [tilespmem:s19+$0x30]  }
0x1ae: {  	v4 =	vld [tilespmem:s19+$0x830]  }
0x1af: {  	v0 =	vld [tilespmem:s19+$0xFFFFF800]  }
0x1b0: {  	v5 =	vld [tilespmem:s19+$0x0]  }
0x1b1: {  	v6 =	vld [tilespmem:s19+$0x800]  }
0x1b2: {  	v7 =	vld [tilespmem:s19+$0xFFFFF010]  }
0x1b3: {  	v8 =	vld [tilespmem:s19+$0xFFFFF810]  }
0x1b4: {  	v9 =	vld [tilespmem:s19+$0x10]  }
0x1b5: {  	v10 =	vld [tilespmem:s19+$0x810]  }
0x1b6: {  	v1 =	vadd.bf16 v2, v1;
	v3 =	vadd.bf16 v4, v3;
	v2 =	vld [tilespmem:s19+$0xFFFFF020]  }
0x1b7: {  	v4 =	vld [tilespmem:s19+$0xFFFFF820]  }
0x1b8: {  	v11 =	vadd.bf16 v3, v1;
	v3 =	vld [tilespmem:s19+$0x20]  }
0x1b9: {  	s13 =	simm.s32 $0xB420;
	v1 =	vadd.bf16 v6, v5;
	v5 =	vld [tilespmem:s19+$0x820]  }
0x1ba: {  	s14 =	simm.s32 $0x0;
	s10 =	simm.s32 $0x4440;
	v7 =	vadd.bf16 v8, v7;
	v8 =	vadd.bf16 v10, v9;
	v6 =	vld [tilespmem:s19+$0xFFFFF000];
	[tilespmem:s13+$0x10] =	vst v11  }
.LBB2_20:
0x1bb: {  	v9 =	vld [tilespmem:s10+$0xFFFFF030]  }
0x1bc: {  	v10 =	vld [tilespmem:s10+$0xFFFFF830];
	v7 =	vadd.bf16 v8, v7;
	v2 =	vadd.bf16 v4, v2  }
0x1bd: {  	v4 =	vld [tilespmem:s10+$0x30]  }
0x1be: {  	s14 =	sadd.s32 $0x4, s14;
	v8 =	vld [tilespmem:s10+$0x830];
	[tilespmem:s13+$0xFFFFFFF0] =	vst v7;
	v3 =	vadd.bf16 v5, v3  }
0x1bf: {  	p0 =	slt.u32 s14, $0x7C;
	v5 =	vadd.bf16 v0, v6;
	v0 =	vld [tilespmem:s10+$0xFFFFF800]  }
0x1c0: {  	v6 =	vld [tilespmem:s10+$0x0];
	v2 =	vadd.bf16 v3, v2  }
0x1c1: {  	v3 =	vld [tilespmem:s10+$0x800];
	v1 =	vadd.bf16 v1, v5  }
0x1c2: {  	v5 =	vld [tilespmem:s10+$0xFFFFF010];
	[tilespmem:s13+$0x0] =	vst v2  }
0x1c3: {  	v2 =	vadd.bf16 v10, v9;
	v7 =	vld [tilespmem:s10+$0xFFFFF810];
	v4 =	vadd.bf16 v8, v4;
	[tilespmem:s13+$0xFFFFFFE0] =	vst v1  }
0x1c4: {  	v8 =	vld [tilespmem:s10+$0x10]  }
0x1c5: {  	v9 =	vld [tilespmem:s10+$0x810];
	v10 =	vadd.bf16 v4, v2  }
.Ltmp9:
0x1c6: {  	s13 =	sadd.s32 $0x40, s13;
	v1 =	vadd.bf16 v3, v6;
	v2 =	vld [tilespmem:s10+$0xFFFFF020];
	(pc) =	sbr.rel @p0 .LBB2_20-.Ltmp9, $4  }
0x1c7: {  	v4 =	vld [tilespmem:s10+$0xFFFFF820];
	[tilespmem:s13+$0x10] =	vst v10  }
0x1c8: {  	v7 =	vadd.bf16 v7, v5;
	v3 =	vld [tilespmem:s10+$0x20]  }
0x1c9: {  	v5 =	vld [tilespmem:s10+$0x820]  }
0x1ca: {  	v6 =	vld [tilespmem:s10+$0xFFFFF000];
	v8 =	vadd.bf16 v9, v8;
	s10 =	sadd.s32 $0x40, s10  }
0x1cb: {  	_ =	sdelay $0x2  }
0x1cc: {  	v2 =	vadd.bf16 v4, v2;
	v3 =	vadd.bf16 v5, v3  }
0x1cd: {  	v4 =	vadd.bf16 v8, v7;
	v0 =	vadd.bf16 v0, v6  }
0x1ce: {  	v2 =	vadd.bf16 v3, v2  }
0x1cf: {  	[tilespmem:s13+$0xFFFFFFF0] =	vst v4;
	v0 =	vadd.bf16 v1, v0  }
0x1d0: {  	[tilespmem:s13+$0x0] =	vst v2  }
0x1d1: {  	[tilespmem:s13+$0xFFFFFFE0] =	vst v0  }
0x1d2: {  	s10 =	rddreg [dreg:$0x7]  }
0x1d3: {  	[hbm4b:s10+s28] =	stream.strided.scatter [tilespmem:s30], [sflag:$0x5], $0x800, s29, s28, $0x38;
	[tilespmem:$0xD400] =	vst v63  }
0x1d4: {  	_ =	swait.ge [sflag:s31], $0x2000  }
0x1d5: {  	[sflag:s31] =	ssyncset.done $0x0  }
0x1d6: {  	[sflag:s31] =	ssyncadd.s32 $0xFFFFE000  }
0x1d7: {  	_ =	swait.ge [sflag:s6], $0x800  }
0x1d8: {  	[sflag:s6] =	ssyncset.done $0x0  }
0x1d9: {  	s19 =	simm.s32 $0x6400;
	[sflag:s6] =	ssyncadd.s32 $0xFFFFF800  }
0x1da: {  	v1 =	vld [tilespmem:s19+$0xFFFFF030]  }
0x1db: {  	v2 =	vld [tilespmem:s19+$0xFFFFF830]  }
0x1dc: {  	v3 =	vld [tilespmem:s19+$0x30]  }
0x1dd: {  	v4 =	vld [tilespmem:s19+$0x830]  }
0x1de: {  	v0 =	vld [tilespmem:s19+$0xFFFFF800]  }
0x1df: {  	v5 =	vld [tilespmem:s19+$0x0]  }
0x1e0: {  	v6 =	vld [tilespmem:s19+$0x800]  }
0x1e1: {  	v7 =	vld [tilespmem:s19+$0xFFFFF010]  }
0x1e2: {  	v8 =	vld [tilespmem:s19+$0xFFFFF810]  }
0x1e3: {  	v9 =	vld [tilespmem:s19+$0x10]  }
0x1e4: {  	v10 =	vld [tilespmem:s19+$0x810]  }
0x1e5: {  	v1 =	vadd.bf16 v2, v1;
	v3 =	vadd.bf16 v4, v3;
	v2 =	vld [tilespmem:s19+$0xFFFFF020]  }
0x1e6: {  	v4 =	vld [tilespmem:s19+$0xFFFFF820]  }
0x1e7: {  	v11 =	vadd.bf16 v3, v1;
	v3 =	vld [tilespmem:s19+$0x20]  }
0x1e8: {  	s13 =	simm.s32 $0xBC20;
	v1 =	vadd.bf16 v6, v5;
	v5 =	vld [tilespmem:s19+$0x820]  }
0x1e9: {  	s14 =	simm.s32 $0x0;
	s10 =	simm.s32 $0x6440;
	v7 =	vadd.bf16 v8, v7;
	v8 =	vadd.bf16 v10, v9;
	v6 =	vld [tilespmem:s19+$0xFFFFF000];
	[tilespmem:s13+$0x10] =	vst v11  }
.LBB2_22:
0x1ea: {  	v9 =	vld [tilespmem:s10+$0xFFFFF030]  }
0x1eb: {  	v10 =	vld [tilespmem:s10+$0xFFFFF830];
	v7 =	vadd.bf16 v8, v7;
	v2 =	vadd.bf16 v4, v2  }
0x1ec: {  	v4 =	vld [tilespmem:s10+$0x30]  }
0x1ed: {  	s14 =	sadd.s32 $0x4, s14;
	v8 =	vld [tilespmem:s10+$0x830];
	[tilespmem:s13+$0xFFFFFFF0] =	vst v7;
	v3 =	vadd.bf16 v5, v3  }
0x1ee: {  	p0 =	slt.u32 s14, $0x7C;
	v5 =	vadd.bf16 v0, v6;
	v0 =	vld [tilespmem:s10+$0xFFFFF800]  }
0x1ef: {  	v6 =	vld [tilespmem:s10+$0x0];
	v2 =	vadd.bf16 v3, v2  }
0x1f0: {  	v3 =	vld [tilespmem:s10+$0x800];
	v1 =	vadd.bf16 v1, v5  }
0x1f1: {  	v5 =	vld [tilespmem:s10+$0xFFFFF010];
	[tilespmem:s13+$0x0] =	vst v2  }
0x1f2: {  	v2 =	vadd.bf16 v10, v9;
	v7 =	vld [tilespmem:s10+$0xFFFFF810];
	v4 =	vadd.bf16 v8, v4;
	[tilespmem:s13+$0xFFFFFFE0] =	vst v1  }
0x1f3: {  	v8 =	vld [tilespmem:s10+$0x10]  }
0x1f4: {  	v9 =	vld [tilespmem:s10+$0x810];
	v10 =	vadd.bf16 v4, v2  }
.Ltmp10:
0x1f5: {  	s13 =	sadd.s32 $0x40, s13;
	v1 =	vadd.bf16 v3, v6;
	v2 =	vld [tilespmem:s10+$0xFFFFF020];
	(pc) =	sbr.rel @p0 .LBB2_22-.Ltmp10, $4  }
0x1f6: {  	v4 =	vld [tilespmem:s10+$0xFFFFF820];
	[tilespmem:s13+$0x10] =	vst v10  }
0x1f7: {  	v7 =	vadd.bf16 v7, v5;
	v3 =	vld [tilespmem:s10+$0x20]  }
0x1f8: {  	v5 =	vld [tilespmem:s10+$0x820]  }
0x1f9: {  	v6 =	vld [tilespmem:s10+$0xFFFFF000];
	v8 =	vadd.bf16 v9, v8;
	s10 =	sadd.s32 $0x40, s10  }
0x1fa: {  	_ =	sdelay $0x2  }
0x1fb: {  	v2 =	vadd.bf16 v4, v2;
	v3 =	vadd.bf16 v5, v3  }
0x1fc: {  	v63 =	vadd.bf16 v8, v7;
	v0 =	vadd.bf16 v0, v6  }
0x1fd: {  	v2 =	vadd.bf16 v3, v2  }
0x1fe: {  	[tilespmem:s13+$0xFFFFFFF0] =	vst v63;
	v0 =	vadd.bf16 v1, v0  }
0x1ff: {  	[tilespmem:s13+$0x0] =	vst v2  }
0x200: {  	[tilespmem:s13+$0xFFFFFFE0] =	vst v0  }
0x201: {  	s10 =	rddreg [dreg:$0x8]  }
0x202: {  	[hbm4b:s10+s28] =	stream.strided.scatter [tilespmem:s0], [sflag:$0x6], $0x800, s29, s28, $0x38;
	[tilespmem:$0xD400] =	vst v63  }
0x203: {  	_ =	swait.ge [sflag:s2], $0x800  }
0x204: {  	[sflag:s2] =	ssyncset.done $0x0  }
0x205: {  	[sflag:s2] =	ssyncadd.s32 $0xFFFFF800  }
0x206: {  	_ =	swait.ge [sflag:s6], $0x800  }
0x207: {  	[sflag:s6] =	ssyncset.done $0x0  }
0x208: {  	[sflag:s6] =	ssyncadd.s32 $0xFFFFF800  }
0x209: {  	_ =	swait.ge [sflag:s15], $0x800  }
0x20a: {  	[sflag:s15] =	ssyncset.done $0x0  }
0x20b: {  	[sflag:s15] =	ssyncadd.s32 $0xFFFFF800  }
0x20c: {  	_ =	swait.ge [sflag:s11], $0x800  }
0x20d: {  	s12 =	sadd.s32 $0x1, s12;
	s19 =	rddreg [dreg:$0x9]  }
0x20e: {  	p0 =	sne.s32 s12, s19  }
.Ltmp11:
0x20f: {  	_ = 	snop;
	(pc) =	sbr.rel @p0 .LBB2_1-.Ltmp11, $3  }
0x210: {  	_ =	sdelay $0x1  }
0x211: {  	[sflag:s11] =	ssyncset.done $0x0  }
0x212: {  	[sflag:s11] =	ssyncadd.s32 $0xFFFFF800  }
0x213: {  	_ =	sfence.sel $0x180000  }
0x214: {  	[bflag:$0x0] =	sbarrier.arrive $0xFFFF  }
0x215: {  	_ =	strace $0x90000047  }
0x216: {  	s0 =	stileid.u32;
	[bflag:$0x2] =	sbarrier.arrive $0xFFFF  }
0x217: {  	p0 =	sne.s32 s0, $0x0;
	s0 =	rddreg [dreg:$0x1]  }
0x218: {  	s0 =	sadd.s32 @!p0 $0x100000, s0  }
0x219: {  	[sflag:s0] =	ssyncadd.tile.s32 @!p0 $0x1;
	_ =	shalt  }
.Lfunc_end2:
_tile_overlayer_lowered:
.L_overlay_start_2:
0x21a: {  	(tag) =	ssettag $0x2  }
0x21b: {  	s0 =	rddreg [dreg:$0x0];
	s2 =	stileid.u32  }
0x21c: {  	s1 =	rddreg [dreg:$0x1];
	p0 =	sne.s32 s2, $0x0  }
0x21d: {  	s3 =	rddreg [dreg:$0x2];
	[bflag:$0x3] =	sbarrier.arrive $0xFFFF;
	s2 =	simm.s32 @!p0 $0x1C09  }
0x21e: {  	[timem:s3], [sflag:s2] =	dma.local @!p0 [hbm:s0], s1  }
0x21f: {  	s0 =	simm.s32 @!p0 $0x9  }
0x220: {  	_ =	swait.ge @!p0 [sflag:s0], s1  }
0x221: {  	s1 =	ssub.s32 @!p0 $0x0, s1;
	[sflag:s0] =	ssyncset.done @!p0 $0x0  }
0x222: {  	[sflag:s0] =	ssyncadd.s32 @!p0 s1  }
0x223: {  	[bflag:$0x3] =	sbarrier.arrive $0xFFFF  }
0x224: {  	_ =	shalt  }

</sc_bundles>
